<compile_context>
chip_gen: v7x
topology: tpu7x:2x2x1
jax: 0.10.2.dev20260603
libtpu: 0.0.44.dev20260713+nightly
codegen_flags: <defaults>
</compile_context>

<pallas_src>
import functools

import jax
import jax.numpy as jnp
from jax import lax
from jax.experimental import pallas as pl
from jax.experimental.pallas import tpu as pltpu
from jax.experimental.pallas import tpu_sc as plsc

BATCH = 16384
EDIM = 64
BLK = 128
NUM_CORES = 2
NUM_SUBCORES = 16
NUM_WORKERS = NUM_CORES * NUM_SUBCORES
BPW = BATCH // NUM_WORKERS
LANES = 16
NSLOT = 7


def _sc_body(user_wT, item_wT, user_idx, item_idx, out,
             idx_us, idx_is, idx_v, blk_u, blk_i, out_v, sems):
    wid = lax.axis_index("s") * NUM_CORES + lax.axis_index("c")
    base = wid * BPW

    pltpu.sync_copy(user_idx.at[pl.ds(base, BPW)], idx_v)

    def unpack_u(g, carry):
        v = idx_v[pl.ds(g * LANES, LANES)]
        for l in range(LANES):
            idx_us[g * LANES + l] = v[l]
        return carry

    lax.fori_loop(0, BPW // LANES, unpack_u, 0)

    pltpu.sync_copy(item_idx.at[pl.ds(base, BPW)], idx_v)

    def unpack_i(g, carry):
        v = idx_v[pl.ds(g * LANES, LANES)]
        for l in range(LANES):
            idx_is[g * LANES + l] = v[l]
        return carry

    lax.fori_loop(0, BPW // LANES, unpack_i, 0)

    lane_iota = lax.iota(jnp.int32, LANES)

    def block_start(idx):
        return pl.multiple_of((idx >> 7) * BLK, BLK)

    def fire(j, slot):
        bu = block_start(idx_us[j])
        bi = block_start(idx_is[j])
        pltpu.async_copy(
            user_wT.at[:, pl.ds(bu, BLK)], blk_u.at[slot], sems.at[slot])
        pltpu.async_copy(
            item_wT.at[:, pl.ds(bi, BLK)], blk_i.at[slot], sems.at[slot])

    def wait_slot(j, slot):
        bu = block_start(idx_us[j])
        bi = block_start(idx_is[j])
        pltpu.make_async_copy(
            user_wT.at[:, pl.ds(bu, BLK)], blk_u.at[slot],
            sems.at[slot]).wait()
        pltpu.make_async_copy(
            item_wT.at[:, pl.ds(bi, BLK)], blk_i.at[slot],
            sems.at[slot]).wait()

    def compute(j, slot, acc):
        iu = idx_us[j]
        ii = idx_is[j]
        cu = jnp.full((LANES,), iu & (BLK - 1), jnp.int32)
        ci = jnp.full((LANES,), ii & (BLK - 1), jnp.int32)
        slot_v = jnp.full((LANES,), slot, jnp.int32)
        p = jnp.zeros((LANES,), jnp.float32)
        for k in range(EDIM // LANES):
            rows = lane_iota + (k * LANES)
            gu = plsc.load_gather(blk_u, [slot_v, rows, cu])
            gi = plsc.load_gather(blk_i, [slot_v, rows, ci])
            p = p + gu * gi
        s = lax.reduce_sum(p, axes=(0,))
        acc = jnp.where(lane_iota == (j & (LANES - 1)), s, acc)

        @pl.when((j & (LANES - 1)) == (LANES - 1))
        def _():
            out_v[pl.ds((j >> 4) * LANES, LANES)] = acc

        return acc

    for j in range(NSLOT):
        fire(j, j)

    def body(j, acc):
        slot = lax.rem(j, NSLOT)
        wait_slot(j, slot)
        fire(j + NSLOT, slot)
        return compute(j, slot, acc)

    acc = lax.fori_loop(0, BPW - NSLOT, body, jnp.zeros((LANES,), jnp.float32))

    def tail(j, acc):
        slot = lax.rem(j, NSLOT)
        wait_slot(j, slot)
        return compute(j, slot, acc)

    lax.fori_loop(BPW - NSLOT, BPW, tail, acc)

    pltpu.sync_copy(out_v, out.at[pl.ds(base, BPW)])


_sc_kernel = functools.partial(
    pl.kernel,
    out_type=jax.ShapeDtypeStruct((BATCH,), jnp.float32),
    mesh=plsc.VectorSubcoreMesh(core_axis_name="c", subcore_axis_name="s"),
    scratch_types=[
        pltpu.SMEM((BPW,), jnp.int32),
        pltpu.SMEM((BPW,), jnp.int32),
        pltpu.VMEM((BPW,), jnp.int32),
        pltpu.VMEM((NSLOT, EDIM, BLK), jnp.float32),
        pltpu.VMEM((NSLOT, EDIM, BLK), jnp.float32),
        pltpu.VMEM((BPW,), jnp.float32),
        pltpu.SemaphoreType.DMA((NSLOT,)),
    ],
    compiler_params=pltpu.CompilerParams(needs_layout_passes=False),
)(_sc_body)


def kernel(user_embs_weight, item_embs_weight, user, item):
    user = user.astype(jnp.int32)
    item = item.astype(jnp.int32)
    user_wT = user_embs_weight.T
    item_wT = item_embs_weight.T
    return _sc_kernel(user_wT, item_wT, user, item)

# --- scband reference (transcript-rebuilt; emitter-appended) ---
"""Pipeline reference for scband-ground-truth-3075196584612 (READ-ONLY COPY).

The authoritative reference and input builder live on the scoring server;
editing this copy changes nothing except your own understanding.
"""

import jax, jax.numpy as jnp
import numpy as np

USER_NUM = 1000000
ITEM_NUM = 1000000
EDIM = 64
BATCH = 16384


def setup_inputs(seed: int = 0) -> dict:
    key = jax.random.key(seed)
    k_user, k_item, k_uw, k_iw = jax.random.split(key, 4)
    user = jax.random.randint(k_user, (BATCH,), 0, USER_NUM, dtype=jnp.int64 if jax.config.jax_enable_x64 else jnp.int32)
    item = jax.random.randint(k_item, (BATCH,), 0, ITEM_NUM, dtype=jnp.int64 if jax.config.jax_enable_x64 else jnp.int32)
    # Embedding tables with padding_idx=0 (row 0 zeroed), uniform init on rows 1:
    user_w = jax.random.uniform(k_uw, (USER_NUM, EDIM), dtype=jnp.float32,
                                minval=-0.5 / USER_NUM, maxval=0.5 / USER_NUM)
    user_w = user_w.at[0].set(0.0)
    item_w = jax.random.uniform(k_iw, (ITEM_NUM, EDIM), dtype=jnp.float32,
                                minval=-0.5 / ITEM_NUM, maxval=0.5 / ITEM_NUM)
    item_w = item_w.at[0].set(0.0)
    return {"user_embs_weight": user_w, "item_embs_weight": item_w, "user": user, "item": item}


def reference(user_embs_weight, item_embs_weight, user, item):
    # user_embedding = self.user_embs(user)  -> gather
    user_embedding = jnp.take(user_embs_weight, user, axis=0)
    # item_embedding = self.item_embs(item)  -> gather
    item_embedding = jnp.take(item_embs_weight, item, axis=0)
    # score = torch.sum(user_embedding * item_embedding, -1)
    score = jnp.sum(user_embedding * item_embedding, axis=-1)
    return score

if __name__ == "__main__":
    import jax
    _d = setup_inputs()
    print(jax.jit(kernel)(*tuple(_d.values())))

</pallas_src>

<mosaic_0001>
#map = affine_map<(d0, d1) -> (0, 0)>
#map1 = affine_map<(d0, d1) -> (0)>
module attributes {stable_mosaic.version = 14 : i64} {
  func.func @_sc_body(%arg0: i32, %arg1: i32, %arg2: memref<64x1000000xf32, #tpu.memory_space<hbm>>, %arg3: memref<64x1000000xf32, #tpu.memory_space<hbm>>, %arg4: memref<16384xi32, #tpu.memory_space<hbm>>, %arg5: memref<16384xi32, #tpu.memory_space<hbm>>, %arg6: memref<16384xf32, #tpu.memory_space<hbm>>, %arg7: memref<512xi32, #tpu.memory_space<smem>>, %arg8: memref<512xi32, #tpu.memory_space<smem>>, %arg9: memref<512xi32, #tpu.memory_space<vmem>>, %arg10: memref<7x64x128xf32, #tpu.memory_space<vmem>>, %arg11: memref<7x64x128xf32, #tpu.memory_space<vmem>>, %arg12: memref<512xf32, #tpu.memory_space<vmem>>, %arg13: memref<7x!tpu.dma_semaphore, #tpu.memory_space<semaphore_mem>>) attributes {dimension_semantics = [#tpu.dimension_semantics<core_parallel>, #tpu.dimension_semantics<subcore_parallel>], iteration_bounds = array<i64: 2, 16>, scalar_prefetch = 0 : i64, scratch_operands = 7 : i64, tpu.core_type = #tpu.core_type<sc_vector_subcore>, window_params = [{transform_indices = #map}, {transform_indices = #map}, {transform_indices = #map1}, {transform_indices = #map1}, {transform_indices = #map1}]} {
    %mul3A = arith.constant 2 : i32
    %mul3A_0 = arith.muli %arg1, %mul3A : i32
    %add3A = arith.addi %mul3A_0, %arg0 : i32
    %mul3A_1 = arith.constant 512 : i32
    %mul3A_2 = arith.muli %add3A, %mul3A_1 : i32
    "tpu.region"() ({
      %run_scoped3A = tpu.sem_alloc : memref<!tpu.dma_semaphore, #tpu.memory_space<semaphore_mem>>
      %dma_start3A_359 = tpu.memref_slice %arg4[%mul3A_2] : memref<16384xi32, #tpu.memory_space<hbm>> -> memref<512xi32, #tpu.memory_space<hbm>>
      %dma_start3A_360 = tpu.memref_slice %arg4[%mul3A_2] : memref<16384xi32, #tpu.memory_space<hbm>> -> memref<512xi32, #tpu.memory_space<hbm>>
      tpu.enqueue_dma source(%dma_start3A_360 : memref<512xi32, #tpu.memory_space<hbm>>) target(%arg9 : memref<512xi32, #tpu.memory_space<vmem>>) target_semaphore(%run_scoped3A : memref<!tpu.dma_semaphore, #tpu.memory_space<semaphore_mem>>)
      %dma_wait3A = tpu.memref_slice %arg4[%mul3A_2] : memref<16384xi32, #tpu.memory_space<hbm>> -> memref<512xi32, #tpu.memory_space<hbm>>
      %dma_wait3A_361 = tpu.memref_slice %arg4[%mul3A_2] : memref<16384xi32, #tpu.memory_space<hbm>> -> memref<512xi32, #tpu.memory_space<hbm>>
      tpu.wait_dma2 semaphore(%run_scoped3A : memref<!tpu.dma_semaphore, #tpu.memory_space<semaphore_mem>>) src(%dma_wait3A_361 : memref<512xi32, #tpu.memory_space<hbm>>) dst(%arg9 : memref<512xi32, #tpu.memory_space<vmem>>)
      tpu.yield
    }) : () -> ()
    %scan3A = arith.constant 0 : i32
    %scan3A_3 = arith.constant 0 : i32
    %scan3A_4 = arith.constant 32 : i32
    %scan3A_5 = arith.addi %scan3A_3, %scan3A_4 : i32
    %scan3A_6 = arith.constant 1 : i32
    scf.for %scan3A_359 = %scan3A_3 to %scan3A_5 step %scan3A_6  : i32 {
      %mul3A_360 = arith.constant 16 : i32
      %mul3A_361 = arith.muli %scan3A_359, %mul3A_360 : i32
      %get3A_362 = arith.index_cast %mul3A_361 : i32 to index
      %get3A_363 = tpu.vector_load %arg9[%get3A_362] {strides = array<i32>} : memref<512xi32, #tpu.memory_space<vmem>>, vector<16xi32>,
      %slice3A = vector.extract_strided_slice %get3A_363 {offsets = [0], sizes = [1], strides = [1]} : vector<16xi32> to vector<1xi32>
      %squeeze3A = vector.extract %slice3A[0] : i32 from vector<1xi32>
      %mul3A_364 = arith.constant 16 : i32
      %mul3A_365 = arith.muli %scan3A_359, %mul3A_364 : i32
      %add3A_366 = arith.constant 0 : i32
      %add3A_367 = arith.addi %mul3A_365, %add3A_366 : i32
      %swap3A = arith.index_cast %add3A_367 : i32 to index
      %swap3A_368 = memref.load %arg7[%swap3A] : memref<512xi32, #tpu.memory_space<smem>>
      memref.store %squeeze3A, %arg7[%swap3A] : memref<512xi32, #tpu.memory_space<smem>>
      %slice3A_369 = vector.extract_strided_slice %get3A_363 {offsets = [1], sizes = [1], strides = [1]} : vector<16xi32> to vector<1xi32>
      %squeeze3A_370 = vector.extract %slice3A_369[0] : i32 from vector<1xi32>
      %mul3A_371 = arith.constant 16 : i32
      %mul3A_372 = arith.muli %scan3A_359, %mul3A_371 : i32
      %add3A_373 = arith.constant 1 : i32
      %add3A_374 = arith.addi %mul3A_372, %add3A_373 : i32
      %swap3A_375 = arith.index_cast %add3A_374 : i32 to index
      %swap3A_376 = memref.load %arg7[%swap3A_375] : memref<512xi32, #tpu.memory_space<smem>>
      memref.store %squeeze3A_370, %arg7[%swap3A_375] : memref<512xi32, #tpu.memory_space<smem>>
      %slice3A_377 = vector.extract_strided_slice %get3A_363 {offsets = [2], sizes = [1], strides = [1]} : vector<16xi32> to vector<1xi32>
      %squeeze3A_378 = vector.extract %slice3A_377[0] : i32 from vector<1xi32>
      %mul3A_379 = arith.constant 16 : i32
      %mul3A_380 = arith.muli %scan3A_359, %mul3A_379 : i32
      %add3A_381 = arith.constant 2 : i32
      %add3A_382 = arith.addi %mul3A_380, %add3A_381 : i32
      %swap3A_383 = arith.index_cast %add3A_382 : i32 to index
      %swap3A_384 = memref.load %arg7[%swap3A_383] : memref<512xi32, #tpu.memory_space<smem>>
      memref.store %squeeze3A_378, %arg7[%swap3A_383] : memref<512xi32, #tpu.memory_space<smem>>
      %slice3A_385 = vector.extract_strided_slice %get3A_363 {offsets = [3], sizes = [1], strides = [1]} : vector<16xi32> to vector<1xi32>
      %squeeze3A_386 = vector.extract %slice3A_385[0] : i32 from vector<1xi32>
      %mul3A_387 = arith.constant 16 : i32
      %mul3A_388 = arith.muli %scan3A_359, %mul3A_387 : i32
      %add3A_389 = arith.constant 3 : i32
      %add3A_390 = arith.addi %mul3A_388, %add3A_389 : i32
      %swap3A_391 = arith.index_cast %add3A_390 : i32 to index
      %swap3A_392 = memref.load %arg7[%swap3A_391] : memref<512xi32, #tpu.memory_space<smem>>
      memref.store %squeeze3A_386, %arg7[%swap3A_391] : memref<512xi32, #tpu.memory_space<smem>>
      %slice3A_393 = vector.extract_strided_slice %get3A_363 {offsets = [4], sizes = [1], strides = [1]} : vector<16xi32> to vector<1xi32>
      %squeeze3A_394 = vector.extract %slice3A_393[0] : i32 from vector<1xi32>
      %mul3A_395 = arith.constant 16 : i32
      %mul3A_396 = arith.muli %scan3A_359, %mul3A_395 : i32
      %add3A_397 = arith.constant 4 : i32
      %add3A_398 = arith.addi %mul3A_396, %add3A_397 : i32
      %swap3A_399 = arith.index_cast %add3A_398 : i32 to index
      %swap3A_400 = memref.load %arg7[%swap3A_399] : memref<512xi32, #tpu.memory_space<smem>>
      memref.store %squeeze3A_394, %arg7[%swap3A_399] : memref<512xi32, #tpu.memory_space<smem>>
      %slice3A_401 = vector.extract_strided_slice %get3A_363 {offsets = [5], sizes = [1], strides = [1]} : vector<16xi32> to vector<1xi32>
      %squeeze3A_402 = vector.extract %slice3A_401[0] : i32 from vector<1xi32>
      %mul3A_403 = arith.constant 16 : i32
      %mul3A_404 = arith.muli %scan3A_359, %mul3A_403 : i32
      %add3A_405 = arith.constant 5 : i32
      %add3A_406 = arith.addi %mul3A_404, %add3A_405 : i32
      %swap3A_407 = arith.index_cast %add3A_406 : i32 to index
      %swap3A_408 = memref.load %arg7[%swap3A_407] : memref<512xi32, #tpu.memory_space<smem>>
      memref.store %squeeze3A_402, %arg7[%swap3A_407] : memref<512xi32, #tpu.memory_space<smem>>
      %slice3A_409 = vector.extract_strided_slice %get3A_363 {offsets = [6], sizes = [1], strides = [1]} : vector<16xi32> to vector<1xi32>
      %squeeze3A_410 = vector.extract %slice3A_409[0] : i32 from vector<1xi32>
      %mul3A_411 = arith.constant 16 : i32
      %mul3A_412 = arith.muli %scan3A_359, %mul3A_411 : i32
      %add3A_413 = arith.constant 6 : i32
      %add3A_414 = arith.addi %mul3A_412, %add3A_413 : i32
      %swap3A_415 = arith.index_cast %add3A_414 : i32 to index
      %swap3A_416 = memref.load %arg7[%swap3A_415] : memref<512xi32, #tpu.memory_space<smem>>
      memref.store %squeeze3A_410, %arg7[%swap3A_415] : memref<512xi32, #tpu.memory_space<smem>>
      %slice3A_417 = vector.extract_strided_slice %get3A_363 {offsets = [7], sizes = [1], strides = [1]} : vector<16xi32> to vector<1xi32>
      %squeeze3A_418 = vector.extract %slice3A_417[0] : i32 from vector<1xi32>
      %mul3A_419 = arith.constant 16 : i32
      %mul3A_420 = arith.muli %scan3A_359, %mul3A_419 : i32
      %add3A_421 = arith.constant 7 : i32
      %add3A_422 = arith.addi %mul3A_420, %add3A_421 : i32
      %swap3A_423 = arith.index_cast %add3A_422 : i32 to index
      %swap3A_424 = memref.load %arg7[%swap3A_423] : memref<512xi32, #tpu.memory_space<smem>>
      memref.store %squeeze3A_418, %arg7[%swap3A_423] : memref<512xi32, #tpu.memory_space<smem>>
      %slice3A_425 = vector.extract_strided_slice %get3A_363 {offsets = [8], sizes = [1], strides = [1]} : vector<16xi32> to vector<1xi32>
      %squeeze3A_426 = vector.extract %slice3A_425[0] : i32 from vector<1xi32>
      %mul3A_427 = arith.constant 16 : i32
      %mul3A_428 = arith.muli %scan3A_359, %mul3A_427 : i32
      %add3A_429 = arith.constant 8 : i32
      %add3A_430 = arith.addi %mul3A_428, %add3A_429 : i32
      %swap3A_431 = arith.index_cast %add3A_430 : i32 to index
      %swap3A_432 = memref.load %arg7[%swap3A_431] : memref<512xi32, #tpu.memory_space<smem>>
      memref.store %squeeze3A_426, %arg7[%swap3A_431] : memref<512xi32, #tpu.memory_space<smem>>
      %slice3A_433 = vector.extract_strided_slice %get3A_363 {offsets = [9], sizes = [1], strides = [1]} : vector<16xi32> to vector<1xi32>
      %squeeze3A_434 = vector.extract %slice3A_433[0] : i32 from vector<1xi32>
      %mul3A_435 = arith.constant 16 : i32
      %mul3A_436 = arith.muli %scan3A_359, %mul3A_435 : i32
      %add3A_437 = arith.constant 9 : i32
      %add3A_438 = arith.addi %mul3A_436, %add3A_437 : i32
      %swap3A_439 = arith.index_cast %add3A_438 : i32 to index
      %swap3A_440 = memref.load %arg7[%swap3A_439] : memref<512xi32, #tpu.memory_space<smem>>
      memref.store %squeeze3A_434, %arg7[%swap3A_439] : memref<512xi32, #tpu.memory_space<smem>>
      %slice3A_441 = vector.extract_strided_slice %get3A_363 {offsets = [10], sizes = [1], strides = [1]} : vector<16xi32> to vector<1xi32>
      %squeeze3A_442 = vector.extract %slice3A_441[0] : i32 from vector<1xi32>
      %mul3A_443 = arith.constant 16 : i32
      %mul3A_444 = arith.muli %scan3A_359, %mul3A_443 : i32
      %add3A_445 = arith.constant 10 : i32
      %add3A_446 = arith.addi %mul3A_444, %add3A_445 : i32
      %swap3A_447 = arith.index_cast %add3A_446 : i32 to index
      %swap3A_448 = memref.load %arg7[%swap3A_447] : memref<512xi32, #tpu.memory_space<smem>>
      memref.store %squeeze3A_442, %arg7[%swap3A_447] : memref<512xi32, #tpu.memory_space<smem>>
      %slice3A_449 = vector.extract_strided_slice %get3A_363 {offsets = [11], sizes = [1], strides = [1]} : vector<16xi32> to vector<1xi32>
      %squeeze3A_450 = vector.extract %slice3A_449[0] : i32 from vector<1xi32>
      %mul3A_451 = arith.constant 16 : i32
      %mul3A_452 = arith.muli %scan3A_359, %mul3A_451 : i32
      %add3A_453 = arith.constant 11 : i32
      %add3A_454 = arith.addi %mul3A_452, %add3A_453 : i32
      %swap3A_455 = arith.index_cast %add3A_454 : i32 to index
      %swap3A_456 = memref.load %arg7[%swap3A_455] : memref<512xi32, #tpu.memory_space<smem>>
      memref.store %squeeze3A_450, %arg7[%swap3A_455] : memref<512xi32, #tpu.memory_space<smem>>
      %slice3A_457 = vector.extract_strided_slice %get3A_363 {offsets = [12], sizes = [1], strides = [1]} : vector<16xi32> to vector<1xi32>
      %squeeze3A_458 = vector.extract %slice3A_457[0] : i32 from vector<1xi32>
      %mul3A_459 = arith.constant 16 : i32
      %mul3A_460 = arith.muli %scan3A_359, %mul3A_459 : i32
      %add3A_461 = arith.constant 12 : i32
      %add3A_462 = arith.addi %mul3A_460, %add3A_461 : i32
      %swap3A_463 = arith.index_cast %add3A_462 : i32 to index
      %swap3A_464 = memref.load %arg7[%swap3A_463] : memref<512xi32, #tpu.memory_space<smem>>
      memref.store %squeeze3A_458, %arg7[%swap3A_463] : memref<512xi32, #tpu.memory_space<smem>>
      %slice3A_465 = vector.extract_strided_slice %get3A_363 {offsets = [13], sizes = [1], strides = [1]} : vector<16xi32> to vector<1xi32>
      %squeeze3A_466 = vector.extract %slice3A_465[0] : i32 from vector<1xi32>
      %mul3A_467 = arith.constant 16 : i32
      %mul3A_468 = arith.muli %scan3A_359, %mul3A_467 : i32
      %add3A_469 = arith.constant 13 : i32
      %add3A_470 = arith.addi %mul3A_468, %add3A_469 : i32
      %swap3A_471 = arith.index_cast %add3A_470 : i32 to index
      %swap3A_472 = memref.load %arg7[%swap3A_471] : memref<512xi32, #tpu.memory_space<smem>>
      memref.store %squeeze3A_466, %arg7[%swap3A_471] : memref<512xi32, #tpu.memory_space<smem>>
      %slice3A_473 = vector.extract_strided_slice %get3A_363 {offsets = [14], sizes = [1], strides = [1]} : vector<16xi32> to vector<1xi32>
      %squeeze3A_474 = vector.extract %slice3A_473[0] : i32 from vector<1xi32>
      %mul3A_475 = arith.constant 16 : i32
      %mul3A_476 = arith.muli %scan3A_359, %mul3A_475 : i32
      %add3A_477 = arith.constant 14 : i32
      %add3A_478 = arith.addi %mul3A_476, %add3A_477 : i32
      %swap3A_479 = arith.index_cast %add3A_478 : i32 to index
      %swap3A_480 = memref.load %arg7[%swap3A_479] : memref<512xi32, #tpu.memory_space<smem>>
      memref.store %squeeze3A_474, %arg7[%swap3A_479] : memref<512xi32, #tpu.memory_space<smem>>
      %slice3A_481 = vector.extract_strided_slice %get3A_363 {offsets = [15], sizes = [1], strides = [1]} : vector<16xi32> to vector<1xi32>
      %squeeze3A_482 = vector.extract %slice3A_481[0] : i32 from vector<1xi32>
      %mul3A_483 = arith.constant 16 : i32
      %mul3A_484 = arith.muli %scan3A_359, %mul3A_483 : i32
      %add3A_485 = arith.constant 15 : i32
      %add3A_486 = arith.addi %mul3A_484, %add3A_485 : i32
      %swap3A_487 = arith.index_cast %add3A_486 : i32 to index
      %swap3A_488 = memref.load %arg7[%swap3A_487] : memref<512xi32, #tpu.memory_space<smem>>
      memref.store %squeeze3A_482, %arg7[%swap3A_487] : memref<512xi32, #tpu.memory_space<smem>>
    }
    %scan3A_7 = arith.constant 32 : i32
    "tpu.region"() ({
      %run_scoped3A = tpu.sem_alloc : memref<!tpu.dma_semaphore, #tpu.memory_space<semaphore_mem>>
      %dma_start3A_359 = tpu.memref_slice %arg5[%mul3A_2] : memref<16384xi32, #tpu.memory_space<hbm>> -> memref<512xi32, #tpu.memory_space<hbm>>
      %dma_start3A_360 = tpu.memref_slice %arg5[%mul3A_2] : memref<16384xi32, #tpu.memory_space<hbm>> -> memref<512xi32, #tpu.memory_space<hbm>>
      tpu.enqueue_dma source(%dma_start3A_360 : memref<512xi32, #tpu.memory_space<hbm>>) target(%arg9 : memref<512xi32, #tpu.memory_space<vmem>>) target_semaphore(%run_scoped3A : memref<!tpu.dma_semaphore, #tpu.memory_space<semaphore_mem>>)
      %dma_wait3A = tpu.memref_slice %arg5[%mul3A_2] : memref<16384xi32, #tpu.memory_space<hbm>> -> memref<512xi32, #tpu.memory_space<hbm>>
      %dma_wait3A_361 = tpu.memref_slice %arg5[%mul3A_2] : memref<16384xi32, #tpu.memory_space<hbm>> -> memref<512xi32, #tpu.memory_space<hbm>>
      tpu.wait_dma2 semaphore(%run_scoped3A : memref<!tpu.dma_semaphore, #tpu.memory_space<semaphore_mem>>) src(%dma_wait3A_361 : memref<512xi32, #tpu.memory_space<hbm>>) dst(%arg9 : memref<512xi32, #tpu.memory_space<vmem>>)
      tpu.yield
    }) : () -> ()
    %scan3A_8 = arith.constant 0 : i32
    %scan3A_9 = arith.constant 0 : i32
    %scan3A_10 = arith.constant 32 : i32
    %scan3A_11 = arith.addi %scan3A_9, %scan3A_10 : i32
    %scan3A_12 = arith.constant 1 : i32
    scf.for %scan3A_359 = %scan3A_9 to %scan3A_11 step %scan3A_12  : i32 {
      %mul3A_360 = arith.constant 16 : i32
      %mul3A_361 = arith.muli %scan3A_359, %mul3A_360 : i32
      %get3A_362 = arith.index_cast %mul3A_361 : i32 to index
      %get3A_363 = tpu.vector_load %arg9[%get3A_362] {strides = array<i32>} : memref<512xi32, #tpu.memory_space<vmem>>, vector<16xi32>,
      %slice3A = vector.extract_strided_slice %get3A_363 {offsets = [0], sizes = [1], strides = [1]} : vector<16xi32> to vector<1xi32>
      %squeeze3A = vector.extract %slice3A[0] : i32 from vector<1xi32>
      %mul3A_364 = arith.constant 16 : i32
      %mul3A_365 = arith.muli %scan3A_359, %mul3A_364 : i32
      %add3A_366 = arith.constant 0 : i32
      %add3A_367 = arith.addi %mul3A_365, %add3A_366 : i32
      %swap3A = arith.index_cast %add3A_367 : i32 to index
      %swap3A_368 = memref.load %arg8[%swap3A] : memref<512xi32, #tpu.memory_space<smem>>
      memref.store %squeeze3A, %arg8[%swap3A] : memref<512xi32, #tpu.memory_space<smem>>
      %slice3A_369 = vector.extract_strided_slice %get3A_363 {offsets = [1], sizes = [1], strides = [1]} : vector<16xi32> to vector<1xi32>
      %squeeze3A_370 = vector.extract %slice3A_369[0] : i32 from vector<1xi32>
      %mul3A_371 = arith.constant 16 : i32
      %mul3A_372 = arith.muli %scan3A_359, %mul3A_371 : i32
      %add3A_373 = arith.constant 1 : i32
      %add3A_374 = arith.addi %mul3A_372, %add3A_373 : i32
      %swap3A_375 = arith.index_cast %add3A_374 : i32 to index
      %swap3A_376 = memref.load %arg8[%swap3A_375] : memref<512xi32, #tpu.memory_space<smem>>
      memref.store %squeeze3A_370, %arg8[%swap3A_375] : memref<512xi32, #tpu.memory_space<smem>>
      %slice3A_377 = vector.extract_strided_slice %get3A_363 {offsets = [2], sizes = [1], strides = [1]} : vector<16xi32> to vector<1xi32>
      %squeeze3A_378 = vector.extract %slice3A_377[0] : i32 from vector<1xi32>
      %mul3A_379 = arith.constant 16 : i32
      %mul3A_380 = arith.muli %scan3A_359, %mul3A_379 : i32
      %add3A_381 = arith.constant 2 : i32
      %add3A_382 = arith.addi %mul3A_380, %add3A_381 : i32
      %swap3A_383 = arith.index_cast %add3A_382 : i32 to index
      %swap3A_384 = memref.load %arg8[%swap3A_383] : memref<512xi32, #tpu.memory_space<smem>>
      memref.store %squeeze3A_378, %arg8[%swap3A_383] : memref<512xi32, #tpu.memory_space<smem>>
      %slice3A_385 = vector.extract_strided_slice %get3A_363 {offsets = [3], sizes = [1], strides = [1]} : vector<16xi32> to vector<1xi32>
      %squeeze3A_386 = vector.extract %slice3A_385[0] : i32 from vector<1xi32>
      %mul3A_387 = arith.constant 16 : i32
      %mul3A_388 = arith.muli %scan3A_359, %mul3A_387 : i32
      %add3A_389 = arith.constant 3 : i32
      %add3A_390 = arith.addi %mul3A_388, %add3A_389 : i32
      %swap3A_391 = arith.index_cast %add3A_390 : i32 to index
      %swap3A_392 = memref.load %arg8[%swap3A_391] : memref<512xi32, #tpu.memory_space<smem>>
      memref.store %squeeze3A_386, %arg8[%swap3A_391] : memref<512xi32, #tpu.memory_space<smem>>
      %slice3A_393 = vector.extract_strided_slice %get3A_363 {offsets = [4], sizes = [1], strides = [1]} : vector<16xi32> to vector<1xi32>
      %squeeze3A_394 = vector.extract %slice3A_393[0] : i32 from vector<1xi32>
      %mul3A_395 = arith.constant 16 : i32
      %mul3A_396 = arith.muli %scan3A_359, %mul3A_395 : i32
      %add3A_397 = arith.constant 4 : i32
      %add3A_398 = arith.addi %mul3A_396, %add3A_397 : i32
      %swap3A_399 = arith.index_cast %add3A_398 : i32 to index
      %swap3A_400 = memref.load %arg8[%swap3A_399] : memref<512xi32, #tpu.memory_space<smem>>
      memref.store %squeeze3A_394, %arg8[%swap3A_399] : memref<512xi32, #tpu.memory_space<smem>>
      %slice3A_401 = vector.extract_strided_slice %get3A_363 {offsets = [5], sizes = [1], strides = [1]} : vector<16xi32> to vector<1xi32>
      %squeeze3A_402 = vector.extract %slice3A_401[0] : i32 from vector<1xi32>
      %mul3A_403 = arith.constant 16 : i32
      %mul3A_404 = arith.muli %scan3A_359, %mul3A_403 : i32
      %add3A_405 = arith.constant 5 : i32
      %add3A_406 = arith.addi %mul3A_404, %add3A_405 : i32
      %swap3A_407 = arith.index_cast %add3A_406 : i32 to index
      %swap3A_408 = memref.load %arg8[%swap3A_407] : memref<512xi32, #tpu.memory_space<smem>>
      memref.store %squeeze3A_402, %arg8[%swap3A_407] : memref<512xi32, #tpu.memory_space<smem>>
      %slice3A_409 = vector.extract_strided_slice %get3A_363 {offsets = [6], sizes = [1], strides = [1]} : vector<16xi32> to vector<1xi32>
      %squeeze3A_410 = vector.extract %slice3A_409[0] : i32 from vector<1xi32>
      %mul3A_411 = arith.constant 16 : i32
      %mul3A_412 = arith.muli %scan3A_359, %mul3A_411 : i32
      %add3A_413 = arith.constant 6 : i32
      %add3A_414 = arith.addi %mul3A_412, %add3A_413 : i32
      %swap3A_415 = arith.index_cast %add3A_414 : i32 to index
      %swap3A_416 = memref.load %arg8[%swap3A_415] : memref<512xi32, #tpu.memory_space<smem>>
      memref.store %squeeze3A_410, %arg8[%swap3A_415] : memref<512xi32, #tpu.memory_space<smem>>
      %slice3A_417 = vector.extract_strided_slice %get3A_363 {offsets = [7], sizes = [1], strides = [1]} : vector<16xi32> to vector<1xi32>
      %squeeze3A_418 = vector.extract %slice3A_417[0] : i32 from vector<1xi32>
      %mul3A_419 = arith.constant 16 : i32
      %mul3A_420 = arith.muli %scan3A_359, %mul3A_419 : i32
      %add3A_421 = arith.constant 7 : i32
      %add3A_422 = arith.addi %mul3A_420, %add3A_421 : i32
      %swap3A_423 = arith.index_cast %add3A_422 : i32 to index
      %swap3A_424 = memref.load %arg8[%swap3A_423] : memref<512xi32, #tpu.memory_space<smem>>
      memref.store %squeeze3A_418, %arg8[%swap3A_423] : memref<512xi32, #tpu.memory_space<smem>>
      %slice3A_425 = vector.extract_strided_slice %get3A_363 {offsets = [8], sizes = [1], strides = [1]} : vector<16xi32> to vector<1xi32>
      %squeeze3A_426 = vector.extract %slice3A_425[0] : i32 from vector<1xi32>
      %mul3A_427 = arith.constant 16 : i32
      %mul3A_428 = arith.muli %scan3A_359, %mul3A_427 : i32
      %add3A_429 = arith.constant 8 : i32
      %add3A_430 = arith.addi %mul3A_428, %add3A_429 : i32
      %swap3A_431 = arith.index_cast %add3A_430 : i32 to index
      %swap3A_432 = memref.load %arg8[%swap3A_431] : memref<512xi32, #tpu.memory_space<smem>>
      memref.store %squeeze3A_426, %arg8[%swap3A_431] : memref<512xi32, #tpu.memory_space<smem>>
      %slice3A_433 = vector.extract_strided_slice %get3A_363 {offsets = [9], sizes = [1], strides = [1]} : vector<16xi32> to vector<1xi32>
      %squeeze3A_434 = vector.extract %slice3A_433[0] : i32 from vector<1xi32>
      %mul3A_435 = arith.constant 16 : i32
      %mul3A_436 = arith.muli %scan3A_359, %mul3A_435 : i32
      %add3A_437 = arith.constant 9 : i32
      %add3A_438 = arith.addi %mul3A_436, %add3A_437 : i32
      %swap3A_439 = arith.index_cast %add3A_438 : i32 to index
      %swap3A_440 = memref.load %arg8[%swap3A_439] : memref<512xi32, #tpu.memory_space<smem>>
      memref.store %squeeze3A_434, %arg8[%swap3A_439] : memref<512xi32, #tpu.memory_space<smem>>
      %slice3A_441 = vector.extract_strided_slice %get3A_363 {offsets = [10], sizes = [1], strides = [1]} : vector<16xi32> to vector<1xi32>
      %squeeze3A_442 = vector.extract %slice3A_441[0] : i32 from vector<1xi32>
      %mul3A_443 = arith.constant 16 : i32
      %mul3A_444 = arith.muli %scan3A_359, %mul3A_443 : i32
      %add3A_445 = arith.constant 10 : i32
      %add3A_446 = arith.addi %mul3A_444, %add3A_445 : i32
      %swap3A_447 = arith.index_cast %add3A_446 : i32 to index
      %swap3A_448 = memref.load %arg8[%swap3A_447] : memref<512xi32, #tpu.memory_space<smem>>
      memref.store %squeeze3A_442, %arg8[%swap3A_447] : memref<512xi32, #tpu.memory_space<smem>>
      %slice3A_449 = vector.extract_strided_slice %get3A_363 {offsets = [11], sizes = [1], strides = [1]} : vector<16xi32> to vector<1xi32>
      %squeeze3A_450 = vector.extract %slice3A_449[0] : i32 from vector<1xi32>
      %mul3A_451 = arith.constant 16 : i32
      %mul3A_452 = arith.muli %scan3A_359, %mul3A_451 : i32
      %add3A_453 = arith.constant 11 : i32
      %add3A_454 = arith.addi %mul3A_452, %add3A_453 : i32
      %swap3A_455 = arith.index_cast %add3A_454 : i32 to index
      %swap3A_456 = memref.load %arg8[%swap3A_455] : memref<512xi32, #tpu.memory_space<smem>>
      memref.store %squeeze3A_450, %arg8[%swap3A_455] : memref<512xi32, #tpu.memory_space<smem>>
      %slice3A_457 = vector.extract_strided_slice %get3A_363 {offsets = [12], sizes = [1], strides = [1]} : vector<16xi32> to vector<1xi32>
      %squeeze3A_458 = vector.extract %slice3A_457[0] : i32 from vector<1xi32>
      %mul3A_459 = arith.constant 16 : i32
      %mul3A_460 = arith.muli %scan3A_359, %mul3A_459 : i32
      %add3A_461 = arith.constant 12 : i32
      %add3A_462 = arith.addi %mul3A_460, %add3A_461 : i32
      %swap3A_463 = arith.index_cast %add3A_462 : i32 to index
      %swap3A_464 = memref.load %arg8[%swap3A_463] : memref<512xi32, #tpu.memory_space<smem>>
      memref.store %squeeze3A_458, %arg8[%swap3A_463] : memref<512xi32, #tpu.memory_space<smem>>
      %slice3A_465 = vector.extract_strided_slice %get3A_363 {offsets = [13], sizes = [1], strides = [1]} : vector<16xi32> to vector<1xi32>
      %squeeze3A_466 = vector.extract %slice3A_465[0] : i32 from vector<1xi32>
      %mul3A_467 = arith.constant 16 : i32
      %mul3A_468 = arith.muli %scan3A_359, %mul3A_467 : i32
      %add3A_469 = arith.constant 13 : i32
      %add3A_470 = arith.addi %mul3A_468, %add3A_469 : i32
      %swap3A_471 = arith.index_cast %add3A_470 : i32 to index
      %swap3A_472 = memref.load %arg8[%swap3A_471] : memref<512xi32, #tpu.memory_space<smem>>
      memref.store %squeeze3A_466, %arg8[%swap3A_471] : memref<512xi32, #tpu.memory_space<smem>>
      %slice3A_473 = vector.extract_strided_slice %get3A_363 {offsets = [14], sizes = [1], strides = [1]} : vector<16xi32> to vector<1xi32>
      %squeeze3A_474 = vector.extract %slice3A_473[0] : i32 from vector<1xi32>
      %mul3A_475 = arith.constant 16 : i32
      %mul3A_476 = arith.muli %scan3A_359, %mul3A_475 : i32
      %add3A_477 = arith.constant 14 : i32
      %add3A_478 = arith.addi %mul3A_476, %add3A_477 : i32
      %swap3A_479 = arith.index_cast %add3A_478 : i32 to index
      %swap3A_480 = memref.load %arg8[%swap3A_479] : memref<512xi32, #tpu.memory_space<smem>>
      memref.store %squeeze3A_474, %arg8[%swap3A_479] : memref<512xi32, #tpu.memory_space<smem>>
      %slice3A_481 = vector.extract_strided_slice %get3A_363 {offsets = [15], sizes = [1], strides = [1]} : vector<16xi32> to vector<1xi32>
      %squeeze3A_482 = vector.extract %slice3A_481[0] : i32 from vector<1xi32>
      %mul3A_483 = arith.constant 16 : i32
      %mul3A_484 = arith.muli %scan3A_359, %mul3A_483 : i32
      %add3A_485 = arith.constant 15 : i32
      %add3A_486 = arith.addi %mul3A_484, %add3A_485 : i32
      %swap3A_487 = arith.index_cast %add3A_486 : i32 to index
      %swap3A_488 = memref.load %arg8[%swap3A_487] : memref<512xi32, #tpu.memory_space<smem>>
      memref.store %squeeze3A_482, %arg8[%swap3A_487] : memref<512xi32, #tpu.memory_space<smem>>
    }
    %scan3A_13 = arith.constant 32 : i32
    %iota3A = tpu.iota {dimensions = array<i32: 0>} : vector<16xi32>
    %get3A = arith.constant 0 : i32
    %get3A_14 = arith.index_cast %get3A : i32 to index
    %get3A_15 = memref.load %arg7[%get3A_14] : memref<512xi32, #tpu.memory_space<smem>>
    %shift_right_arithmetic3A = arith.constant 7 : i32
    %shift_right_arithmetic3A_16 = arith.shrsi %get3A_15, %shift_right_arithmetic3A : i32
    %mul3A_17 = arith.constant 128 : i32
    %mul3A_18 = arith.muli %shift_right_arithmetic3A_16, %mul3A_17 : i32
    %multiple_of3A = tpu.assume_multiple %mul3A_18, 128 : i32
    %get3A_19 = arith.constant 0 : i32
    %get3A_20 = arith.index_cast %get3A_19 : i32 to index
    %get3A_21 = memref.load %arg8[%get3A_20] : memref<512xi32, #tpu.memory_space<smem>>
    %shift_right_arithmetic3A_22 = arith.constant 7 : i32
    %shift_right_arithmetic3A_23 = arith.shrsi %get3A_21, %shift_right_arithmetic3A_22 : i32
    %mul3A_24 = arith.constant 128 : i32
    %mul3A_25 = arith.muli %shift_right_arithmetic3A_23, %mul3A_24 : i32
    %multiple_of3A_26 = tpu.assume_multiple %mul3A_25, 128 : i32
    %dma_start3A = arith.constant 0 : i32
    %dma_start3A_27 = arith.constant 0 : i32
    %dma_start3A_28 = arith.constant 0 : i32
    %dma_start3A_29 = arith.constant 0 : i32
    %dma_start3A_30 = tpu.memref_slice %arg10[%dma_start3A, %dma_start3A_28, %dma_start3A_29] : memref<7x64x128xf32, #tpu.memory_space<vmem>> -> memref<1x64x128xf32, #tpu.memory_space<vmem>>
    %dma_start3A_31 = tpu.memref_squeeze %dma_start3A_30 : memref<1x64x128xf32, #tpu.memory_space<vmem>> -> memref<64x128xf32, #tpu.memory_space<vmem>>
    %dma_start3A_32 = arith.constant 0 : i32
    %dma_start3A_33 = tpu.memref_slice %arg2[%dma_start3A_32, %multiple_of3A] : memref<64x1000000xf32, #tpu.memory_space<hbm>> -> memref<64x128xf32, #tpu.memory_space<hbm>>
    %dma_start3A_34 = tpu.memref_slice %arg13[%dma_start3A_27] : memref<7x!tpu.dma_semaphore, #tpu.memory_space<semaphore_mem>> -> memref<1x!tpu.dma_semaphore, #tpu.memory_space<semaphore_mem>>
    %dma_start3A_35 = tpu.memref_squeeze %dma_start3A_34 : memref<1x!tpu.dma_semaphore, #tpu.memory_space<semaphore_mem>> -> memref<!tpu.dma_semaphore, #tpu.memory_space<semaphore_mem>>
    %dma_start3A_36 = arith.constant 0 : i32
    %dma_start3A_37 = arith.constant 0 : i32
    %dma_start3A_38 = tpu.memref_slice %arg10[%dma_start3A, %dma_start3A_36, %dma_start3A_37] : memref<7x64x128xf32, #tpu.memory_space<vmem>> -> memref<1x64x128xf32, #tpu.memory_space<vmem>>
    %dma_start3A_39 = tpu.memref_squeeze %dma_start3A_38 : memref<1x64x128xf32, #tpu.memory_space<vmem>> -> memref<64x128xf32, #tpu.memory_space<vmem>>
    %dma_start3A_40 = arith.constant 0 : i32
    %dma_start3A_41 = tpu.memref_slice %arg2[%dma_start3A_40, %multiple_of3A] : memref<64x1000000xf32, #tpu.memory_space<hbm>> -> memref<64x128xf32, #tpu.memory_space<hbm>>
    tpu.enqueue_dma source(%dma_start3A_41 : memref<64x128xf32, #tpu.memory_space<hbm>>) target(%dma_start3A_39 : memref<64x128xf32, #tpu.memory_space<vmem>>) target_semaphore(%dma_start3A_35 : memref<!tpu.dma_semaphore, #tpu.memory_space<semaphore_mem>>)
    %dma_start3A_42 = arith.constant 0 : i32
    %dma_start3A_43 = arith.constant 0 : i32
    %dma_start3A_44 = arith.constant 0 : i32
    %dma_start3A_45 = arith.constant 0 : i32
    %dma_start3A_46 = tpu.memref_slice %arg11[%dma_start3A_42, %dma_start3A_44, %dma_start3A_45] : memref<7x64x128xf32, #tpu.memory_space<vmem>> -> memref<1x64x128xf32, #tpu.memory_space<vmem>>
    %dma_start3A_47 = tpu.memref_squeeze %dma_start3A_46 : memref<1x64x128xf32, #tpu.memory_space<vmem>> -> memref<64x128xf32, #tpu.memory_space<vmem>>
    %dma_start3A_48 = arith.constant 0 : i32
    %dma_start3A_49 = tpu.memref_slice %arg3[%dma_start3A_48, %multiple_of3A_26] : memref<64x1000000xf32, #tpu.memory_space<hbm>> -> memref<64x128xf32, #tpu.memory_space<hbm>>
    %dma_start3A_50 = tpu.memref_slice %arg13[%dma_start3A_43] : memref<7x!tpu.dma_semaphore, #tpu.memory_space<semaphore_mem>> -> memref<1x!tpu.dma_semaphore, #tpu.memory_space<semaphore_mem>>
    %dma_start3A_51 = tpu.memref_squeeze %dma_start3A_50 : memref<1x!tpu.dma_semaphore, #tpu.memory_space<semaphore_mem>> -> memref<!tpu.dma_semaphore, #tpu.memory_space<semaphore_mem>>
    %dma_start3A_52 = arith.constant 0 : i32
    %dma_start3A_53 = arith.constant 0 : i32
    %dma_start3A_54 = tpu.memref_slice %arg11[%dma_start3A_42, %dma_start3A_52, %dma_start3A_53] : memref<7x64x128xf32, #tpu.memory_space<vmem>> -> memref<1x64x128xf32, #tpu.memory_space<vmem>>
    %dma_start3A_55 = tpu.memref_squeeze %dma_start3A_54 : memref<1x64x128xf32, #tpu.memory_space<vmem>> -> memref<64x128xf32, #tpu.memory_space<vmem>>
    %dma_start3A_56 = arith.constant 0 : i32
    %dma_start3A_57 = tpu.memref_slice %arg3[%dma_start3A_56, %multiple_of3A_26] : memref<64x1000000xf32, #tpu.memory_space<hbm>> -> memref<64x128xf32, #tpu.memory_space<hbm>>
    tpu.enqueue_dma source(%dma_start3A_57 : memref<64x128xf32, #tpu.memory_space<hbm>>) target(%dma_start3A_55 : memref<64x128xf32, #tpu.memory_space<vmem>>) target_semaphore(%dma_start3A_51 : memref<!tpu.dma_semaphore, #tpu.memory_space<semaphore_mem>>)
    %get3A_58 = arith.constant 1 : i32
    %get3A_59 = arith.index_cast %get3A_58 : i32 to index
    %get3A_60 = memref.load %arg7[%get3A_59] : memref<512xi32, #tpu.memory_space<smem>>
    %shift_right_arithmetic3A_61 = arith.constant 7 : i32
    %shift_right_arithmetic3A_62 = arith.shrsi %get3A_60, %shift_right_arithmetic3A_61 : i32
    %mul3A_63 = arith.constant 128 : i32
    %mul3A_64 = arith.muli %shift_right_arithmetic3A_62, %mul3A_63 : i32
    %multiple_of3A_65 = tpu.assume_multiple %mul3A_64, 128 : i32
    %get3A_66 = arith.constant 1 : i32
    %get3A_67 = arith.index_cast %get3A_66 : i32 to index
    %get3A_68 = memref.load %arg8[%get3A_67] : memref<512xi32, #tpu.memory_space<smem>>
    %shift_right_arithmetic3A_69 = arith.constant 7 : i32
    %shift_right_arithmetic3A_70 = arith.shrsi %get3A_68, %shift_right_arithmetic3A_69 : i32
    %mul3A_71 = arith.constant 128 : i32
    %mul3A_72 = arith.muli %shift_right_arithmetic3A_70, %mul3A_71 : i32
    %multiple_of3A_73 = tpu.assume_multiple %mul3A_72, 128 : i32
    %dma_start3A_74 = arith.constant 1 : i32
    %dma_start3A_75 = arith.constant 1 : i32
    %dma_start3A_76 = arith.constant 0 : i32
    %dma_start3A_77 = arith.constant 0 : i32
    %dma_start3A_78 = tpu.memref_slice %arg10[%dma_start3A_74, %dma_start3A_76, %dma_start3A_77] : memref<7x64x128xf32, #tpu.memory_space<vmem>> -> memref<1x64x128xf32, #tpu.memory_space<vmem>>
    %dma_start3A_79 = tpu.memref_squeeze %dma_start3A_78 : memref<1x64x128xf32, #tpu.memory_space<vmem>> -> memref<64x128xf32, #tpu.memory_space<vmem>>
    %dma_start3A_80 = arith.constant 0 : i32
    %dma_start3A_81 = tpu.memref_slice %arg2[%dma_start3A_80, %multiple_of3A_65] : memref<64x1000000xf32, #tpu.memory_space<hbm>> -> memref<64x128xf32, #tpu.memory_space<hbm>>
    %dma_start3A_82 = tpu.memref_slice %arg13[%dma_start3A_75] : memref<7x!tpu.dma_semaphore, #tpu.memory_space<semaphore_mem>> -> memref<1x!tpu.dma_semaphore, #tpu.memory_space<semaphore_mem>>
    %dma_start3A_83 = tpu.memref_squeeze %dma_start3A_82 : memref<1x!tpu.dma_semaphore, #tpu.memory_space<semaphore_mem>> -> memref<!tpu.dma_semaphore, #tpu.memory_space<semaphore_mem>>
    %dma_start3A_84 = arith.constant 0 : i32
    %dma_start3A_85 = arith.constant 0 : i32
    %dma_start3A_86 = tpu.memref_slice %arg10[%dma_start3A_74, %dma_start3A_84, %dma_start3A_85] : memref<7x64x128xf32, #tpu.memory_space<vmem>> -> memref<1x64x128xf32, #tpu.memory_space<vmem>>
    %dma_start3A_87 = tpu.memref_squeeze %dma_start3A_86 : memref<1x64x128xf32, #tpu.memory_space<vmem>> -> memref<64x128xf32, #tpu.memory_space<vmem>>
    %dma_start3A_88 = arith.constant 0 : i32
    %dma_start3A_89 = tpu.memref_slice %arg2[%dma_start3A_88, %multiple_of3A_65] : memref<64x1000000xf32, #tpu.memory_space<hbm>> -> memref<64x128xf32, #tpu.memory_space<hbm>>
    tpu.enqueue_dma source(%dma_start3A_89 : memref<64x128xf32, #tpu.memory_space<hbm>>) target(%dma_start3A_87 : memref<64x128xf32, #tpu.memory_space<vmem>>) target_semaphore(%dma_start3A_83 : memref<!tpu.dma_semaphore, #tpu.memory_space<semaphore_mem>>)
    %dma_start3A_90 = arith.constant 1 : i32
    %dma_start3A_91 = arith.constant 1 : i32
    %dma_start3A_92 = arith.constant 0 : i32
    %dma_start3A_93 = arith.constant 0 : i32
    %dma_start3A_94 = tpu.memref_slice %arg11[%dma_start3A_90, %dma_start3A_92, %dma_start3A_93] : memref<7x64x128xf32, #tpu.memory_space<vmem>> -> memref<1x64x128xf32, #tpu.memory_space<vmem>>
    %dma_start3A_95 = tpu.memref_squeeze %dma_start3A_94 : memref<1x64x128xf32, #tpu.memory_space<vmem>> -> memref<64x128xf32, #tpu.memory_space<vmem>>
    %dma_start3A_96 = arith.constant 0 : i32
    %dma_start3A_97 = tpu.memref_slice %arg3[%dma_start3A_96, %multiple_of3A_73] : memref<64x1000000xf32, #tpu.memory_space<hbm>> -> memref<64x128xf32, #tpu.memory_space<hbm>>
    %dma_start3A_98 = tpu.memref_slice %arg13[%dma_start3A_91] : memref<7x!tpu.dma_semaphore, #tpu.memory_space<semaphore_mem>> -> memref<1x!tpu.dma_semaphore, #tpu.memory_space<semaphore_mem>>
    %dma_start3A_99 = tpu.memref_squeeze %dma_start3A_98 : memref<1x!tpu.dma_semaphore, #tpu.memory_space<semaphore_mem>> -> memref<!tpu.dma_semaphore, #tpu.memory_space<semaphore_mem>>
    %dma_start3A_100 = arith.constant 0 : i32
    %dma_start3A_101 = arith.constant 0 : i32
    %dma_start3A_102 = tpu.memref_slice %arg11[%dma_start3A_90, %dma_start3A_100, %dma_start3A_101] : memref<7x64x128xf32, #tpu.memory_space<vmem>> -> memref<1x64x128xf32, #tpu.memory_space<vmem>>
    %dma_start3A_103 = tpu.memref_squeeze %dma_start3A_102 : memref<1x64x128xf32, #tpu.memory_space<vmem>> -> memref<64x128xf32, #tpu.memory_space<vmem>>
    %dma_start3A_104 = arith.constant 0 : i32
    %dma_start3A_105 = tpu.memref_slice %arg3[%dma_start3A_104, %multiple_of3A_73] : memref<64x1000000xf32, #tpu.memory_space<hbm>> -> memref<64x128xf32, #tpu.memory_space<hbm>>
    tpu.enqueue_dma source(%dma_start3A_105 : memref<64x128xf32, #tpu.memory_space<hbm>>) target(%dma_start3A_103 : memref<64x128xf32, #tpu.memory_space<vmem>>) target_semaphore(%dma_start3A_99 : memref<!tpu.dma_semaphore, #tpu.memory_space<semaphore_mem>>)
    %get3A_106 = arith.constant 2 : i32
    %get3A_107 = arith.index_cast %get3A_106 : i32 to index
    %get3A_108 = memref.load %arg7[%get3A_107] : memref<512xi32, #tpu.memory_space<smem>>
    %shift_right_arithmetic3A_109 = arith.constant 7 : i32
    %shift_right_arithmetic3A_110 = arith.shrsi %get3A_108, %shift_right_arithmetic3A_109 : i32
    %mul3A_111 = arith.constant 128 : i32
    %mul3A_112 = arith.muli %shift_right_arithmetic3A_110, %mul3A_111 : i32
    %multiple_of3A_113 = tpu.assume_multiple %mul3A_112, 128 : i32
    %get3A_114 = arith.constant 2 : i32
    %get3A_115 = arith.index_cast %get3A_114 : i32 to index
    %get3A_116 = memref.load %arg8[%get3A_115] : memref<512xi32, #tpu.memory_space<smem>>
    %shift_right_arithmetic3A_117 = arith.constant 7 : i32
    %shift_right_arithmetic3A_118 = arith.shrsi %get3A_116, %shift_right_arithmetic3A_117 : i32
    %mul3A_119 = arith.constant 128 : i32
    %mul3A_120 = arith.muli %shift_right_arithmetic3A_118, %mul3A_119 : i32
    %multiple_of3A_121 = tpu.assume_multiple %mul3A_120, 128 : i32
    %dma_start3A_122 = arith.constant 2 : i32
    %dma_start3A_123 = arith.constant 2 : i32
    %dma_start3A_124 = arith.constant 0 : i32
    %dma_start3A_125 = arith.constant 0 : i32
    %dma_start3A_126 = tpu.memref_slice %arg10[%dma_start3A_122, %dma_start3A_124, %dma_start3A_125] : memref<7x64x128xf32, #tpu.memory_space<vmem>> -> memref<1x64x128xf32, #tpu.memory_space<vmem>>
    %dma_start3A_127 = tpu.memref_squeeze %dma_start3A_126 : memref<1x64x128xf32, #tpu.memory_space<vmem>> -> memref<64x128xf32, #tpu.memory_space<vmem>>
    %dma_start3A_128 = arith.constant 0 : i32
    %dma_start3A_129 = tpu.memref_slice %arg2[%dma_start3A_128, %multiple_of3A_113] : memref<64x1000000xf32, #tpu.memory_space<hbm>> -> memref<64x128xf32, #tpu.memory_space<hbm>>
    %dma_start3A_130 = tpu.memref_slice %arg13[%dma_start3A_123] : memref<7x!tpu.dma_semaphore, #tpu.memory_space<semaphore_mem>> -> memref<1x!tpu.dma_semaphore, #tpu.memory_space<semaphore_mem>>
    %dma_start3A_131 = tpu.memref_squeeze %dma_start3A_130 : memref<1x!tpu.dma_semaphore, #tpu.memory_space<semaphore_mem>> -> memref<!tpu.dma_semaphore, #tpu.memory_space<semaphore_mem>>
    %dma_start3A_132 = arith.constant 0 : i32
    %dma_start3A_133 = arith.constant 0 : i32
    %dma_start3A_134 = tpu.memref_slice %arg10[%dma_start3A_122, %dma_start3A_132, %dma_start3A_133] : memref<7x64x128xf32, #tpu.memory_space<vmem>> -> memref<1x64x128xf32, #tpu.memory_space<vmem>>
    %dma_start3A_135 = tpu.memref_squeeze %dma_start3A_134 : memref<1x64x128xf32, #tpu.memory_space<vmem>> -> memref<64x128xf32, #tpu.memory_space<vmem>>
    %dma_start3A_136 = arith.constant 0 : i32
    %dma_start3A_137 = tpu.memref_slice %arg2[%dma_start3A_136, %multiple_of3A_113] : memref<64x1000000xf32, #tpu.memory_space<hbm>> -> memref<64x128xf32, #tpu.memory_space<hbm>>
    tpu.enqueue_dma source(%dma_start3A_137 : memref<64x128xf32, #tpu.memory_space<hbm>>) target(%dma_start3A_135 : memref<64x128xf32, #tpu.memory_space<vmem>>) target_semaphore(%dma_start3A_131 : memref<!tpu.dma_semaphore, #tpu.memory_space<semaphore_mem>>)
    %dma_start3A_138 = arith.constant 2 : i32
    %dma_start3A_139 = arith.constant 2 : i32
    %dma_start3A_140 = arith.constant 0 : i32
    %dma_start3A_141 = arith.constant 0 : i32
    %dma_start3A_142 = tpu.memref_slice %arg11[%dma_start3A_138, %dma_start3A_140, %dma_start3A_141] : memref<7x64x128xf32, #tpu.memory_space<vmem>> -> memref<1x64x128xf32, #tpu.memory_space<vmem>>
    %dma_start3A_143 = tpu.memref_squeeze %dma_start3A_142 : memref<1x64x128xf32, #tpu.memory_space<vmem>> -> memref<64x128xf32, #tpu.memory_space<vmem>>
    %dma_start3A_144 = arith.constant 0 : i32
    %dma_start3A_145 = tpu.memref_slice %arg3[%dma_start3A_144, %multiple_of3A_121] : memref<64x1000000xf32, #tpu.memory_space<hbm>> -> memref<64x128xf32, #tpu.memory_space<hbm>>
    %dma_start3A_146 = tpu.memref_slice %arg13[%dma_start3A_139] : memref<7x!tpu.dma_semaphore, #tpu.memory_space<semaphore_mem>> -> memref<1x!tpu.dma_semaphore, #tpu.memory_space<semaphore_mem>>
    %dma_start3A_147 = tpu.memref_squeeze %dma_start3A_146 : memref<1x!tpu.dma_semaphore, #tpu.memory_space<semaphore_mem>> -> memref<!tpu.dma_semaphore, #tpu.memory_space<semaphore_mem>>
    %dma_start3A_148 = arith.constant 0 : i32
    %dma_start3A_149 = arith.constant 0 : i32
    %dma_start3A_150 = tpu.memref_slice %arg11[%dma_start3A_138, %dma_start3A_148, %dma_start3A_149] : memref<7x64x128xf32, #tpu.memory_space<vmem>> -> memref<1x64x128xf32, #tpu.memory_space<vmem>>
    %dma_start3A_151 = tpu.memref_squeeze %dma_start3A_150 : memref<1x64x128xf32, #tpu.memory_space<vmem>> -> memref<64x128xf32, #tpu.memory_space<vmem>>
    %dma_start3A_152 = arith.constant 0 : i32
    %dma_start3A_153 = tpu.memref_slice %arg3[%dma_start3A_152, %multiple_of3A_121] : memref<64x1000000xf32, #tpu.memory_space<hbm>> -> memref<64x128xf32, #tpu.memory_space<hbm>>
    tpu.enqueue_dma source(%dma_start3A_153 : memref<64x128xf32, #tpu.memory_space<hbm>>) target(%dma_start3A_151 : memref<64x128xf32, #tpu.memory_space<vmem>>) target_semaphore(%dma_start3A_147 : memref<!tpu.dma_semaphore, #tpu.memory_space<semaphore_mem>>)
    %get3A_154 = arith.constant 3 : i32
    %get3A_155 = arith.index_cast %get3A_154 : i32 to index
    %get3A_156 = memref.load %arg7[%get3A_155] : memref<512xi32, #tpu.memory_space<smem>>
    %shift_right_arithmetic3A_157 = arith.constant 7 : i32
    %shift_right_arithmetic3A_158 = arith.shrsi %get3A_156, %shift_right_arithmetic3A_157 : i32
    %mul3A_159 = arith.constant 128 : i32
    %mul3A_160 = arith.muli %shift_right_arithmetic3A_158, %mul3A_159 : i32
    %multiple_of3A_161 = tpu.assume_multiple %mul3A_160, 128 : i32
    %get3A_162 = arith.constant 3 : i32
    %get3A_163 = arith.index_cast %get3A_162 : i32 to index
    %get3A_164 = memref.load %arg8[%get3A_163] : memref<512xi32, #tpu.memory_space<smem>>
    %shift_right_arithmetic3A_165 = arith.constant 7 : i32
    %shift_right_arithmetic3A_166 = arith.shrsi %get3A_164, %shift_right_arithmetic3A_165 : i32
    %mul3A_167 = arith.constant 128 : i32
    %mul3A_168 = arith.muli %shift_right_arithmetic3A_166, %mul3A_167 : i32
    %multiple_of3A_169 = tpu.assume_multiple %mul3A_168, 128 : i32
    %dma_start3A_170 = arith.constant 3 : i32
    %dma_start3A_171 = arith.constant 3 : i32
    %dma_start3A_172 = arith.constant 0 : i32
    %dma_start3A_173 = arith.constant 0 : i32
    %dma_start3A_174 = tpu.memref_slice %arg10[%dma_start3A_170, %dma_start3A_172, %dma_start3A_173] : memref<7x64x128xf32, #tpu.memory_space<vmem>> -> memref<1x64x128xf32, #tpu.memory_space<vmem>>
    %dma_start3A_175 = tpu.memref_squeeze %dma_start3A_174 : memref<1x64x128xf32, #tpu.memory_space<vmem>> -> memref<64x128xf32, #tpu.memory_space<vmem>>
    %dma_start3A_176 = arith.constant 0 : i32
    %dma_start3A_177 = tpu.memref_slice %arg2[%dma_start3A_176, %multiple_of3A_161] : memref<64x1000000xf32, #tpu.memory_space<hbm>> -> memref<64x128xf32, #tpu.memory_space<hbm>>
    %dma_start3A_178 = tpu.memref_slice %arg13[%dma_start3A_171] : memref<7x!tpu.dma_semaphore, #tpu.memory_space<semaphore_mem>> -> memref<1x!tpu.dma_semaphore, #tpu.memory_space<semaphore_mem>>
    %dma_start3A_179 = tpu.memref_squeeze %dma_start3A_178 : memref<1x!tpu.dma_semaphore, #tpu.memory_space<semaphore_mem>> -> memref<!tpu.dma_semaphore, #tpu.memory_space<semaphore_mem>>
    %dma_start3A_180 = arith.constant 0 : i32
    %dma_start3A_181 = arith.constant 0 : i32
    %dma_start3A_182 = tpu.memref_slice %arg10[%dma_start3A_170, %dma_start3A_180, %dma_start3A_181] : memref<7x64x128xf32, #tpu.memory_space<vmem>> -> memref<1x64x128xf32, #tpu.memory_space<vmem>>
    %dma_start3A_183 = tpu.memref_squeeze %dma_start3A_182 : memref<1x64x128xf32, #tpu.memory_space<vmem>> -> memref<64x128xf32, #tpu.memory_space<vmem>>
    %dma_start3A_184 = arith.constant 0 : i32
    %dma_start3A_185 = tpu.memref_slice %arg2[%dma_start3A_184, %multiple_of3A_161] : memref<64x1000000xf32, #tpu.memory_space<hbm>> -> memref<64x128xf32, #tpu.memory_space<hbm>>
    tpu.enqueue_dma source(%dma_start3A_185 : memref<64x128xf32, #tpu.memory_space<hbm>>) target(%dma_start3A_183 : memref<64x128xf32, #tpu.memory_space<vmem>>) target_semaphore(%dma_start3A_179 : memref<!tpu.dma_semaphore, #tpu.memory_space<semaphore_mem>>)
    %dma_start3A_186 = arith.constant 3 : i32
    %dma_start3A_187 = arith.constant 3 : i32
    %dma_start3A_188 = arith.constant 0 : i32
    %dma_start3A_189 = arith.constant 0 : i32
    %dma_start3A_190 = tpu.memref_slice %arg11[%dma_start3A_186, %dma_start3A_188, %dma_start3A_189] : memref<7x64x128xf32, #tpu.memory_space<vmem>> -> memref<1x64x128xf32, #tpu.memory_space<vmem>>
    %dma_start3A_191 = tpu.memref_squeeze %dma_start3A_190 : memref<1x64x128xf32, #tpu.memory_space<vmem>> -> memref<64x128xf32, #tpu.memory_space<vmem>>
    %dma_start3A_192 = arith.constant 0 : i32
    %dma_start3A_193 = tpu.memref_slice %arg3[%dma_start3A_192, %multiple_of3A_169] : memref<64x1000000xf32, #tpu.memory_space<hbm>> -> memref<64x128xf32, #tpu.memory_space<hbm>>
    %dma_start3A_194 = tpu.memref_slice %arg13[%dma_start3A_187] : memref<7x!tpu.dma_semaphore, #tpu.memory_space<semaphore_mem>> -> memref<1x!tpu.dma_semaphore, #tpu.memory_space<semaphore_mem>>
    %dma_start3A_195 = tpu.memref_squeeze %dma_start3A_194 : memref<1x!tpu.dma_semaphore, #tpu.memory_space<semaphore_mem>> -> memref<!tpu.dma_semaphore, #tpu.memory_space<semaphore_mem>>
    %dma_start3A_196 = arith.constant 0 : i32
    %dma_start3A_197 = arith.constant 0 : i32
    %dma_start3A_198 = tpu.memref_slice %arg11[%dma_start3A_186, %dma_start3A_196, %dma_start3A_197] : memref<7x64x128xf32, #tpu.memory_space<vmem>> -> memref<1x64x128xf32, #tpu.memory_space<vmem>>
    %dma_start3A_199 = tpu.memref_squeeze %dma_start3A_198 : memref<1x64x128xf32, #tpu.memory_space<vmem>> -> memref<64x128xf32, #tpu.memory_space<vmem>>
    %dma_start3A_200 = arith.constant 0 : i32
    %dma_start3A_201 = tpu.memref_slice %arg3[%dma_start3A_200, %multiple_of3A_169] : memref<64x1000000xf32, #tpu.memory_space<hbm>> -> memref<64x128xf32, #tpu.memory_space<hbm>>
    tpu.enqueue_dma source(%dma_start3A_201 : memref<64x128xf32, #tpu.memory_space<hbm>>) target(%dma_start3A_199 : memref<64x128xf32, #tpu.memory_space<vmem>>) target_semaphore(%dma_start3A_195 : memref<!tpu.dma_semaphore, #tpu.memory_space<semaphore_mem>>)
    %get3A_202 = arith.constant 4 : i32
    %get3A_203 = arith.index_cast %get3A_202 : i32 to index
    %get3A_204 = memref.load %arg7[%get3A_203] : memref<512xi32, #tpu.memory_space<smem>>
    %shift_right_arithmetic3A_205 = arith.constant 7 : i32
    %shift_right_arithmetic3A_206 = arith.shrsi %get3A_204, %shift_right_arithmetic3A_205 : i32
    %mul3A_207 = arith.constant 128 : i32
    %mul3A_208 = arith.muli %shift_right_arithmetic3A_206, %mul3A_207 : i32
    %multiple_of3A_209 = tpu.assume_multiple %mul3A_208, 128 : i32
    %get3A_210 = arith.constant 4 : i32
    %get3A_211 = arith.index_cast %get3A_210 : i32 to index
    %get3A_212 = memref.load %arg8[%get3A_211] : memref<512xi32, #tpu.memory_space<smem>>
    %shift_right_arithmetic3A_213 = arith.constant 7 : i32
    %shift_right_arithmetic3A_214 = arith.shrsi %get3A_212, %shift_right_arithmetic3A_213 : i32
    %mul3A_215 = arith.constant 128 : i32
    %mul3A_216 = arith.muli %shift_right_arithmetic3A_214, %mul3A_215 : i32
    %multiple_of3A_217 = tpu.assume_multiple %mul3A_216, 128 : i32
    %dma_start3A_218 = arith.constant 4 : i32
    %dma_start3A_219 = arith.constant 4 : i32
    %dma_start3A_220 = arith.constant 0 : i32
    %dma_start3A_221 = arith.constant 0 : i32
    %dma_start3A_222 = tpu.memref_slice %arg10[%dma_start3A_218, %dma_start3A_220, %dma_start3A_221] : memref<7x64x128xf32, #tpu.memory_space<vmem>> -> memref<1x64x128xf32, #tpu.memory_space<vmem>>
    %dma_start3A_223 = tpu.memref_squeeze %dma_start3A_222 : memref<1x64x128xf32, #tpu.memory_space<vmem>> -> memref<64x128xf32, #tpu.memory_space<vmem>>
    %dma_start3A_224 = arith.constant 0 : i32
    %dma_start3A_225 = tpu.memref_slice %arg2[%dma_start3A_224, %multiple_of3A_209] : memref<64x1000000xf32, #tpu.memory_space<hbm>> -> memref<64x128xf32, #tpu.memory_space<hbm>>
    %dma_start3A_226 = tpu.memref_slice %arg13[%dma_start3A_219] : memref<7x!tpu.dma_semaphore, #tpu.memory_space<semaphore_mem>> -> memref<1x!tpu.dma_semaphore, #tpu.memory_space<semaphore_mem>>
    %dma_start3A_227 = tpu.memref_squeeze %dma_start3A_226 : memref<1x!tpu.dma_semaphore, #tpu.memory_space<semaphore_mem>> -> memref<!tpu.dma_semaphore, #tpu.memory_space<semaphore_mem>>
    %dma_start3A_228 = arith.constant 0 : i32
    %dma_start3A_229 = arith.constant 0 : i32
    %dma_start3A_230 = tpu.memref_slice %arg10[%dma_start3A_218, %dma_start3A_228, %dma_start3A_229] : memref<7x64x128xf32, #tpu.memory_space<vmem>> -> memref<1x64x128xf32, #tpu.memory_space<vmem>>
    %dma_start3A_231 = tpu.memref_squeeze %dma_start3A_230 : memref<1x64x128xf32, #tpu.memory_space<vmem>> -> memref<64x128xf32, #tpu.memory_space<vmem>>
    %dma_start3A_232 = arith.constant 0 : i32
    %dma_start3A_233 = tpu.memref_slice %arg2[%dma_start3A_232, %multiple_of3A_209] : memref<64x1000000xf32, #tpu.memory_space<hbm>> -> memref<64x128xf32, #tpu.memory_space<hbm>>
    tpu.enqueue_dma source(%dma_start3A_233 : memref<64x128xf32, #tpu.memory_space<hbm>>) target(%dma_start3A_231 : memref<64x128xf32, #tpu.memory_space<vmem>>) target_semaphore(%dma_start3A_227 : memref<!tpu.dma_semaphore, #tpu.memory_space<semaphore_mem>>)
    %dma_start3A_234 = arith.constant 4 : i32
    %dma_start3A_235 = arith.constant 4 : i32
    %dma_start3A_236 = arith.constant 0 : i32
    %dma_start3A_237 = arith.constant 0 : i32
    %dma_start3A_238 = tpu.memref_slice %arg11[%dma_start3A_234, %dma_start3A_236, %dma_start3A_237] : memref<7x64x128xf32, #tpu.memory_space<vmem>> -> memref<1x64x128xf32, #tpu.memory_space<vmem>>
    %dma_start3A_239 = tpu.memref_squeeze %dma_start3A_238 : memref<1x64x128xf32, #tpu.memory_space<vmem>> -> memref<64x128xf32, #tpu.memory_space<vmem>>
    %dma_start3A_240 = arith.constant 0 : i32
    %dma_start3A_241 = tpu.memref_slice %arg3[%dma_start3A_240, %multiple_of3A_217] : memref<64x1000000xf32, #tpu.memory_space<hbm>> -> memref<64x128xf32, #tpu.memory_space<hbm>>
    %dma_start3A_242 = tpu.memref_slice %arg13[%dma_start3A_235] : memref<7x!tpu.dma_semaphore, #tpu.memory_space<semaphore_mem>> -> memref<1x!tpu.dma_semaphore, #tpu.memory_space<semaphore_mem>>
    %dma_start3A_243 = tpu.memref_squeeze %dma_start3A_242 : memref<1x!tpu.dma_semaphore, #tpu.memory_space<semaphore_mem>> -> memref<!tpu.dma_semaphore, #tpu.memory_space<semaphore_mem>>
    %dma_start3A_244 = arith.constant 0 : i32
    %dma_start3A_245 = arith.constant 0 : i32
    %dma_start3A_246 = tpu.memref_slice %arg11[%dma_start3A_234, %dma_start3A_244, %dma_start3A_245] : memref<7x64x128xf32, #tpu.memory_space<vmem>> -> memref<1x64x128xf32, #tpu.memory_space<vmem>>
    %dma_start3A_247 = tpu.memref_squeeze %dma_start3A_246 : memref<1x64x128xf32, #tpu.memory_space<vmem>> -> memref<64x128xf32, #tpu.memory_space<vmem>>
    %dma_start3A_248 = arith.constant 0 : i32
    %dma_start3A_249 = tpu.memref_slice %arg3[%dma_start3A_248, %multiple_of3A_217] : memref<64x1000000xf32, #tpu.memory_space<hbm>> -> memref<64x128xf32, #tpu.memory_space<hbm>>
    tpu.enqueue_dma source(%dma_start3A_249 : memref<64x128xf32, #tpu.memory_space<hbm>>) target(%dma_start3A_247 : memref<64x128xf32, #tpu.memory_space<vmem>>) target_semaphore(%dma_start3A_243 : memref<!tpu.dma_semaphore, #tpu.memory_space<semaphore_mem>>)
    %get3A_250 = arith.constant 5 : i32
    %get3A_251 = arith.index_cast %get3A_250 : i32 to index
    %get3A_252 = memref.load %arg7[%get3A_251] : memref<512xi32, #tpu.memory_space<smem>>
    %shift_right_arithmetic3A_253 = arith.constant 7 : i32
    %shift_right_arithmetic3A_254 = arith.shrsi %get3A_252, %shift_right_arithmetic3A_253 : i32
    %mul3A_255 = arith.constant 128 : i32
    %mul3A_256 = arith.muli %shift_right_arithmetic3A_254, %mul3A_255 : i32
    %multiple_of3A_257 = tpu.assume_multiple %mul3A_256, 128 : i32
    %get3A_258 = arith.constant 5 : i32
    %get3A_259 = arith.index_cast %get3A_258 : i32 to index
    %get3A_260 = memref.load %arg8[%get3A_259] : memref<512xi32, #tpu.memory_space<smem>>
    %shift_right_arithmetic3A_261 = arith.constant 7 : i32
    %shift_right_arithmetic3A_262 = arith.shrsi %get3A_260, %shift_right_arithmetic3A_261 : i32
    %mul3A_263 = arith.constant 128 : i32
    %mul3A_264 = arith.muli %shift_right_arithmetic3A_262, %mul3A_263 : i32
    %multiple_of3A_265 = tpu.assume_multiple %mul3A_264, 128 : i32
    %dma_start3A_266 = arith.constant 5 : i32
    %dma_start3A_267 = arith.constant 5 : i32
    %dma_start3A_268 = arith.constant 0 : i32
    %dma_start3A_269 = arith.constant 0 : i32
    %dma_start3A_270 = tpu.memref_slice %arg10[%dma_start3A_266, %dma_start3A_268, %dma_start3A_269] : memref<7x64x128xf32, #tpu.memory_space<vmem>> -> memref<1x64x128xf32, #tpu.memory_space<vmem>>
    %dma_start3A_271 = tpu.memref_squeeze %dma_start3A_270 : memref<1x64x128xf32, #tpu.memory_space<vmem>> -> memref<64x128xf32, #tpu.memory_space<vmem>>
    %dma_start3A_272 = arith.constant 0 : i32
    %dma_start3A_273 = tpu.memref_slice %arg2[%dma_start3A_272, %multiple_of3A_257] : memref<64x1000000xf32, #tpu.memory_space<hbm>> -> memref<64x128xf32, #tpu.memory_space<hbm>>
    %dma_start3A_274 = tpu.memref_slice %arg13[%dma_start3A_267] : memref<7x!tpu.dma_semaphore, #tpu.memory_space<semaphore_mem>> -> memref<1x!tpu.dma_semaphore, #tpu.memory_space<semaphore_mem>>
    %dma_start3A_275 = tpu.memref_squeeze %dma_start3A_274 : memref<1x!tpu.dma_semaphore, #tpu.memory_space<semaphore_mem>> -> memref<!tpu.dma_semaphore, #tpu.memory_space<semaphore_mem>>
    %dma_start3A_276 = arith.constant 0 : i32
    %dma_start3A_277 = arith.constant 0 : i32
    %dma_start3A_278 = tpu.memref_slice %arg10[%dma_start3A_266, %dma_start3A_276, %dma_start3A_277] : memref<7x64x128xf32, #tpu.memory_space<vmem>> -> memref<1x64x128xf32, #tpu.memory_space<vmem>>
    %dma_start3A_279 = tpu.memref_squeeze %dma_start3A_278 : memref<1x64x128xf32, #tpu.memory_space<vmem>> -> memref<64x128xf32, #tpu.memory_space<vmem>>
    %dma_start3A_280 = arith.constant 0 : i32
    %dma_start3A_281 = tpu.memref_slice %arg2[%dma_start3A_280, %multiple_of3A_257] : memref<64x1000000xf32, #tpu.memory_space<hbm>> -> memref<64x128xf32, #tpu.memory_space<hbm>>
    tpu.enqueue_dma source(%dma_start3A_281 : memref<64x128xf32, #tpu.memory_space<hbm>>) target(%dma_start3A_279 : memref<64x128xf32, #tpu.memory_space<vmem>>) target_semaphore(%dma_start3A_275 : memref<!tpu.dma_semaphore, #tpu.memory_space<semaphore_mem>>)
    %dma_start3A_282 = arith.constant 5 : i32
    %dma_start3A_283 = arith.constant 5 : i32
    %dma_start3A_284 = arith.constant 0 : i32
    %dma_start3A_285 = arith.constant 0 : i32
    %dma_start3A_286 = tpu.memref_slice %arg11[%dma_start3A_282, %dma_start3A_284, %dma_start3A_285] : memref<7x64x128xf32, #tpu.memory_space<vmem>> -> memref<1x64x128xf32, #tpu.memory_space<vmem>>
    %dma_start3A_287 = tpu.memref_squeeze %dma_start3A_286 : memref<1x64x128xf32, #tpu.memory_space<vmem>> -> memref<64x128xf32, #tpu.memory_space<vmem>>
    %dma_start3A_288 = arith.constant 0 : i32
    %dma_start3A_289 = tpu.memref_slice %arg3[%dma_start3A_288, %multiple_of3A_265] : memref<64x1000000xf32, #tpu.memory_space<hbm>> -> memref<64x128xf32, #tpu.memory_space<hbm>>
    %dma_start3A_290 = tpu.memref_slice %arg13[%dma_start3A_283] : memref<7x!tpu.dma_semaphore, #tpu.memory_space<semaphore_mem>> -> memref<1x!tpu.dma_semaphore, #tpu.memory_space<semaphore_mem>>
    %dma_start3A_291 = tpu.memref_squeeze %dma_start3A_290 : memref<1x!tpu.dma_semaphore, #tpu.memory_space<semaphore_mem>> -> memref<!tpu.dma_semaphore, #tpu.memory_space<semaphore_mem>>
    %dma_start3A_292 = arith.constant 0 : i32
    %dma_start3A_293 = arith.constant 0 : i32
    %dma_start3A_294 = tpu.memref_slice %arg11[%dma_start3A_282, %dma_start3A_292, %dma_start3A_293] : memref<7x64x128xf32, #tpu.memory_space<vmem>> -> memref<1x64x128xf32, #tpu.memory_space<vmem>>
    %dma_start3A_295 = tpu.memref_squeeze %dma_start3A_294 : memref<1x64x128xf32, #tpu.memory_space<vmem>> -> memref<64x128xf32, #tpu.memory_space<vmem>>
    %dma_start3A_296 = arith.constant 0 : i32
    %dma_start3A_297 = tpu.memref_slice %arg3[%dma_start3A_296, %multiple_of3A_265] : memref<64x1000000xf32, #tpu.memory_space<hbm>> -> memref<64x128xf32, #tpu.memory_space<hbm>>
    tpu.enqueue_dma source(%dma_start3A_297 : memref<64x128xf32, #tpu.memory_space<hbm>>) target(%dma_start3A_295 : memref<64x128xf32, #tpu.memory_space<vmem>>) target_semaphore(%dma_start3A_291 : memref<!tpu.dma_semaphore, #tpu.memory_space<semaphore_mem>>)
    %get3A_298 = arith.constant 6 : i32
    %get3A_299 = arith.index_cast %get3A_298 : i32 to index
    %get3A_300 = memref.load %arg7[%get3A_299] : memref<512xi32, #tpu.memory_space<smem>>
    %shift_right_arithmetic3A_301 = arith.constant 7 : i32
    %shift_right_arithmetic3A_302 = arith.shrsi %get3A_300, %shift_right_arithmetic3A_301 : i32
    %mul3A_303 = arith.constant 128 : i32
    %mul3A_304 = arith.muli %shift_right_arithmetic3A_302, %mul3A_303 : i32
    %multiple_of3A_305 = tpu.assume_multiple %mul3A_304, 128 : i32
    %get3A_306 = arith.constant 6 : i32
    %get3A_307 = arith.index_cast %get3A_306 : i32 to index
    %get3A_308 = memref.load %arg8[%get3A_307] : memref<512xi32, #tpu.memory_space<smem>>
    %shift_right_arithmetic3A_309 = arith.constant 7 : i32
    %shift_right_arithmetic3A_310 = arith.shrsi %get3A_308, %shift_right_arithmetic3A_309 : i32
    %mul3A_311 = arith.constant 128 : i32
    %mul3A_312 = arith.muli %shift_right_arithmetic3A_310, %mul3A_311 : i32
    %multiple_of3A_313 = tpu.assume_multiple %mul3A_312, 128 : i32
    %dma_start3A_314 = arith.constant 6 : i32
    %dma_start3A_315 = arith.constant 6 : i32
    %dma_start3A_316 = arith.constant 0 : i32
    %dma_start3A_317 = arith.constant 0 : i32
    %dma_start3A_318 = tpu.memref_slice %arg10[%dma_start3A_314, %dma_start3A_316, %dma_start3A_317] : memref<7x64x128xf32, #tpu.memory_space<vmem>> -> memref<1x64x128xf32, #tpu.memory_space<vmem>>
    %dma_start3A_319 = tpu.memref_squeeze %dma_start3A_318 : memref<1x64x128xf32, #tpu.memory_space<vmem>> -> memref<64x128xf32, #tpu.memory_space<vmem>>
    %dma_start3A_320 = arith.constant 0 : i32
    %dma_start3A_321 = tpu.memref_slice %arg2[%dma_start3A_320, %multiple_of3A_305] : memref<64x1000000xf32, #tpu.memory_space<hbm>> -> memref<64x128xf32, #tpu.memory_space<hbm>>
    %dma_start3A_322 = tpu.memref_slice %arg13[%dma_start3A_315] : memref<7x!tpu.dma_semaphore, #tpu.memory_space<semaphore_mem>> -> memref<1x!tpu.dma_semaphore, #tpu.memory_space<semaphore_mem>>
    %dma_start3A_323 = tpu.memref_squeeze %dma_start3A_322 : memref<1x!tpu.dma_semaphore, #tpu.memory_space<semaphore_mem>> -> memref<!tpu.dma_semaphore, #tpu.memory_space<semaphore_mem>>
    %dma_start3A_324 = arith.constant 0 : i32
    %dma_start3A_325 = arith.constant 0 : i32
    %dma_start3A_326 = tpu.memref_slice %arg10[%dma_start3A_314, %dma_start3A_324, %dma_start3A_325] : memref<7x64x128xf32, #tpu.memory_space<vmem>> -> memref<1x64x128xf32, #tpu.memory_space<vmem>>
    %dma_start3A_327 = tpu.memref_squeeze %dma_start3A_326 : memref<1x64x128xf32, #tpu.memory_space<vmem>> -> memref<64x128xf32, #tpu.memory_space<vmem>>
    %dma_start3A_328 = arith.constant 0 : i32
    %dma_start3A_329 = tpu.memref_slice %arg2[%dma_start3A_328, %multiple_of3A_305] : memref<64x1000000xf32, #tpu.memory_space<hbm>> -> memref<64x128xf32, #tpu.memory_space<hbm>>
    tpu.enqueue_dma source(%dma_start3A_329 : memref<64x128xf32, #tpu.memory_space<hbm>>) target(%dma_start3A_327 : memref<64x128xf32, #tpu.memory_space<vmem>>) target_semaphore(%dma_start3A_323 : memref<!tpu.dma_semaphore, #tpu.memory_space<semaphore_mem>>)
    %dma_start3A_330 = arith.constant 6 : i32
    %dma_start3A_331 = arith.constant 6 : i32
    %dma_start3A_332 = arith.constant 0 : i32
    %dma_start3A_333 = arith.constant 0 : i32
    %dma_start3A_334 = tpu.memref_slice %arg11[%dma_start3A_330, %dma_start3A_332, %dma_start3A_333] : memref<7x64x128xf32, #tpu.memory_space<vmem>> -> memref<1x64x128xf32, #tpu.memory_space<vmem>>
    %dma_start3A_335 = tpu.memref_squeeze %dma_start3A_334 : memref<1x64x128xf32, #tpu.memory_space<vmem>> -> memref<64x128xf32, #tpu.memory_space<vmem>>
    %dma_start3A_336 = arith.constant 0 : i32
    %dma_start3A_337 = tpu.memref_slice %arg3[%dma_start3A_336, %multiple_of3A_313] : memref<64x1000000xf32, #tpu.memory_space<hbm>> -> memref<64x128xf32, #tpu.memory_space<hbm>>
    %dma_start3A_338 = tpu.memref_slice %arg13[%dma_start3A_331] : memref<7x!tpu.dma_semaphore, #tpu.memory_space<semaphore_mem>> -> memref<1x!tpu.dma_semaphore, #tpu.memory_space<semaphore_mem>>
    %dma_start3A_339 = tpu.memref_squeeze %dma_start3A_338 : memref<1x!tpu.dma_semaphore, #tpu.memory_space<semaphore_mem>> -> memref<!tpu.dma_semaphore, #tpu.memory_space<semaphore_mem>>
    %dma_start3A_340 = arith.constant 0 : i32
    %dma_start3A_341 = arith.constant 0 : i32
    %dma_start3A_342 = tpu.memref_slice %arg11[%dma_start3A_330, %dma_start3A_340, %dma_start3A_341] : memref<7x64x128xf32, #tpu.memory_space<vmem>> -> memref<1x64x128xf32, #tpu.memory_space<vmem>>
    %dma_start3A_343 = tpu.memref_squeeze %dma_start3A_342 : memref<1x64x128xf32, #tpu.memory_space<vmem>> -> memref<64x128xf32, #tpu.memory_space<vmem>>
    %dma_start3A_344 = arith.constant 0 : i32
    %dma_start3A_345 = tpu.memref_slice %arg3[%dma_start3A_344, %multiple_of3A_313] : memref<64x1000000xf32, #tpu.memory_space<hbm>> -> memref<64x128xf32, #tpu.memory_space<hbm>>
    tpu.enqueue_dma source(%dma_start3A_345 : memref<64x128xf32, #tpu.memory_space<hbm>>) target(%dma_start3A_343 : memref<64x128xf32, #tpu.memory_space<vmem>>) target_semaphore(%dma_start3A_339 : memref<!tpu.dma_semaphore, #tpu.memory_space<semaphore_mem>>)
    %broadcast_in_dim3A = arith.constant 0.000000e+00 : f32
    %broadcast_in_dim3A_346 = vector.broadcast %broadcast_in_dim3A : f32 to vector<16xf32>
    %scan3A_347 = arith.constant 0 : i32
    %scan3A_348 = arith.constant 505 : i32
    %scan3A_349 = arith.addi %scan3A_347, %scan3A_348 : i32
    %scan3A_350 = arith.constant 1 : i32
    %scan3A_351 = scf.for %scan3A_359 = %scan3A_347 to %scan3A_349 step %scan3A_350 iter_args(%scan3A_360 = %broadcast_in_dim3A_346) -> (vector<16xf32>)  : i32 {
      %rem3A = arith.constant 7 : i32
      %rem3A_361 = arith.remsi %scan3A_359, %rem3A : i32
      %get3A_362 = arith.index_cast %scan3A_359 : i32 to index
      %get3A_363 = memref.load %arg7[%get3A_362] : memref<512xi32, #tpu.memory_space<smem>>
      %shift_right_arithmetic3A_364 = arith.constant 7 : i32
      %shift_right_arithmetic3A_365 = arith.shrsi %get3A_363, %shift_right_arithmetic3A_364 : i32
      %mul3A_366 = arith.constant 128 : i32
      %mul3A_367 = arith.muli %shift_right_arithmetic3A_365, %mul3A_366 : i32
      %multiple_of3A_368 = tpu.assume_multiple %mul3A_367, 128 : i32
      %get3A_369 = arith.index_cast %scan3A_359 : i32 to index
      %get3A_370 = memref.load %arg8[%get3A_369] : memref<512xi32, #tpu.memory_space<smem>>
      %shift_right_arithmetic3A_371 = arith.constant 7 : i32
      %shift_right_arithmetic3A_372 = arith.shrsi %get3A_370, %shift_right_arithmetic3A_371 : i32
      %mul3A_373 = arith.constant 128 : i32
      %mul3A_374 = arith.muli %shift_right_arithmetic3A_372, %mul3A_373 : i32
      %multiple_of3A_375 = tpu.assume_multiple %mul3A_374, 128 : i32
      %dma_wait3A = arith.constant 0 : i32
      %dma_wait3A_376 = arith.constant 0 : i32
      %dma_wait3A_377 = tpu.memref_slice %arg10[%rem3A_361, %dma_wait3A, %dma_wait3A_376] : memref<7x64x128xf32, #tpu.memory_space<vmem>> -> memref<1x64x128xf32, #tpu.memory_space<vmem>>
      %dma_wait3A_378 = tpu.memref_squeeze %dma_wait3A_377 : memref<1x64x128xf32, #tpu.memory_space<vmem>> -> memref<64x128xf32, #tpu.memory_space<vmem>>
      %dma_wait3A_379 = arith.constant 0 : i32
      %dma_wait3A_380 = tpu.memref_slice %arg2[%dma_wait3A_379, %multiple_of3A_368] : memref<64x1000000xf32, #tpu.memory_space<hbm>> -> memref<64x128xf32, #tpu.memory_space<hbm>>
      %dma_wait3A_381 = tpu.memref_slice %arg13[%rem3A_361] : memref<7x!tpu.dma_semaphore, #tpu.memory_space<semaphore_mem>> -> memref<1x!tpu.dma_semaphore, #tpu.memory_space<semaphore_mem>>
      %dma_wait3A_382 = tpu.memref_squeeze %dma_wait3A_381 : memref<1x!tpu.dma_semaphore, #tpu.memory_space<semaphore_mem>> -> memref<!tpu.dma_semaphore, #tpu.memory_space<semaphore_mem>>
      %dma_wait3A_383 = arith.constant 0 : i32
      %dma_wait3A_384 = arith.constant 0 : i32
      %dma_wait3A_385 = tpu.memref_slice %arg10[%rem3A_361, %dma_wait3A_383, %dma_wait3A_384] : memref<7x64x128xf32, #tpu.memory_space<vmem>> -> memref<1x64x128xf32, #tpu.memory_space<vmem>>
      %dma_wait3A_386 = tpu.memref_squeeze %dma_wait3A_385 : memref<1x64x128xf32, #tpu.memory_space<vmem>> -> memref<64x128xf32, #tpu.memory_space<vmem>>
      %dma_wait3A_387 = arith.constant 0 : i32
      %dma_wait3A_388 = tpu.memref_slice %arg2[%dma_wait3A_387, %multiple_of3A_368] : memref<64x1000000xf32, #tpu.memory_space<hbm>> -> memref<64x128xf32, #tpu.memory_space<hbm>>
      tpu.wait_dma2 semaphore(%dma_wait3A_382 : memref<!tpu.dma_semaphore, #tpu.memory_space<semaphore_mem>>) src(%dma_wait3A_388 : memref<64x128xf32, #tpu.memory_space<hbm>>) dst(%dma_wait3A_386 : memref<64x128xf32, #tpu.memory_space<vmem>>)
      %dma_wait3A_389 = arith.constant 0 : i32
      %dma_wait3A_390 = arith.constant 0 : i32
      %dma_wait3A_391 = tpu.memref_slice %arg11[%rem3A_361, %dma_wait3A_389, %dma_wait3A_390] : memref<7x64x128xf32, #tpu.memory_space<vmem>> -> memref<1x64x128xf32, #tpu.memory_space<vmem>>
      %dma_wait3A_392 = tpu.memref_squeeze %dma_wait3A_391 : memref<1x64x128xf32, #tpu.memory_space<vmem>> -> memref<64x128xf32, #tpu.memory_space<vmem>>
      %dma_wait3A_393 = arith.constant 0 : i32
      %dma_wait3A_394 = tpu.memref_slice %arg3[%dma_wait3A_393, %multiple_of3A_375] : memref<64x1000000xf32, #tpu.memory_space<hbm>> -> memref<64x128xf32, #tpu.memory_space<hbm>>
      %dma_wait3A_395 = tpu.memref_slice %arg13[%rem3A_361] : memref<7x!tpu.dma_semaphore, #tpu.memory_space<semaphore_mem>> -> memref<1x!tpu.dma_semaphore, #tpu.memory_space<semaphore_mem>>
      %dma_wait3A_396 = tpu.memref_squeeze %dma_wait3A_395 : memref<1x!tpu.dma_semaphore, #tpu.memory_space<semaphore_mem>> -> memref<!tpu.dma_semaphore, #tpu.memory_space<semaphore_mem>>
      %dma_wait3A_397 = arith.constant 0 : i32
      %dma_wait3A_398 = arith.constant 0 : i32
      %dma_wait3A_399 = tpu.memref_slice %arg11[%rem3A_361, %dma_wait3A_397, %dma_wait3A_398] : memref<7x64x128xf32, #tpu.memory_space<vmem>> -> memref<1x64x128xf32, #tpu.memory_space<vmem>>
      %dma_wait3A_400 = tpu.memref_squeeze %dma_wait3A_399 : memref<1x64x128xf32, #tpu.memory_space<vmem>> -> memref<64x128xf32, #tpu.memory_space<vmem>>
      %dma_wait3A_401 = arith.constant 0 : i32
      %dma_wait3A_402 = tpu.memref_slice %arg3[%dma_wait3A_401, %multiple_of3A_375] : memref<64x1000000xf32, #tpu.memory_space<hbm>> -> memref<64x128xf32, #tpu.memory_space<hbm>>
      tpu.wait_dma2 semaphore(%dma_wait3A_396 : memref<!tpu.dma_semaphore, #tpu.memory_space<semaphore_mem>>) src(%dma_wait3A_402 : memref<64x128xf32, #tpu.memory_space<hbm>>) dst(%dma_wait3A_400 : memref<64x128xf32, #tpu.memory_space<vmem>>)
      %add3A_403 = arith.constant 7 : i32
      %add3A_404 = arith.addi %scan3A_359, %add3A_403 : i32
      %get3A_405 = arith.index_cast %add3A_404 : i32 to index
      %get3A_406 = memref.load %arg7[%get3A_405] : memref<512xi32, #tpu.memory_space<smem>>
      %shift_right_arithmetic3A_407 = arith.constant 7 : i32
      %shift_right_arithmetic3A_408 = arith.shrsi %get3A_406, %shift_right_arithmetic3A_407 : i32
      %mul3A_409 = arith.constant 128 : i32
      %mul3A_410 = arith.muli %shift_right_arithmetic3A_408, %mul3A_409 : i32
      %multiple_of3A_411 = tpu.assume_multiple %mul3A_410, 128 : i32
      %get3A_412 = arith.index_cast %add3A_404 : i32 to index
      %get3A_413 = memref.load %arg8[%get3A_412] : memref<512xi32, #tpu.memory_space<smem>>
      %shift_right_arithmetic3A_414 = arith.constant 7 : i32
      %shift_right_arithmetic3A_415 = arith.shrsi %get3A_413, %shift_right_arithmetic3A_414 : i32
      %mul3A_416 = arith.constant 128 : i32
      %mul3A_417 = arith.muli %shift_right_arithmetic3A_415, %mul3A_416 : i32
      %multiple_of3A_418 = tpu.assume_multiple %mul3A_417, 128 : i32
      %dma_start3A_419 = arith.constant 0 : i32
      %dma_start3A_420 = arith.constant 0 : i32
      %dma_start3A_421 = tpu.memref_slice %arg10[%rem3A_361, %dma_start3A_419, %dma_start3A_420] : memref<7x64x128xf32, #tpu.memory_space<vmem>> -> memref<1x64x128xf32, #tpu.memory_space<vmem>>
      %dma_start3A_422 = tpu.memref_squeeze %dma_start3A_421 : memref<1x64x128xf32, #tpu.memory_space<vmem>> -> memref<64x128xf32, #tpu.memory_space<vmem>>
      %dma_start3A_423 = arith.constant 0 : i32
      %dma_start3A_424 = tpu.memref_slice %arg2[%dma_start3A_423, %multiple_of3A_411] : memref<64x1000000xf32, #tpu.memory_space<hbm>> -> memref<64x128xf32, #tpu.memory_space<hbm>>
      %dma_start3A_425 = tpu.memref_slice %arg13[%rem3A_361] : memref<7x!tpu.dma_semaphore, #tpu.memory_space<semaphore_mem>> -> memref<1x!tpu.dma_semaphore, #tpu.memory_space<semaphore_mem>>
      %dma_start3A_426 = tpu.memref_squeeze %dma_start3A_425 : memref<1x!tpu.dma_semaphore, #tpu.memory_space<semaphore_mem>> -> memref<!tpu.dma_semaphore, #tpu.memory_space<semaphore_mem>>
      %dma_start3A_427 = arith.constant 0 : i32
      %dma_start3A_428 = arith.constant 0 : i32
      %dma_start3A_429 = tpu.memref_slice %arg10[%rem3A_361, %dma_start3A_427, %dma_start3A_428] : memref<7x64x128xf32, #tpu.memory_space<vmem>> -> memref<1x64x128xf32, #tpu.memory_space<vmem>>
      %dma_start3A_430 = tpu.memref_squeeze %dma_start3A_429 : memref<1x64x128xf32, #tpu.memory_space<vmem>> -> memref<64x128xf32, #tpu.memory_space<vmem>>
      %dma_start3A_431 = arith.constant 0 : i32
      %dma_start3A_432 = tpu.memref_slice %arg2[%dma_start3A_431, %multiple_of3A_411] : memref<64x1000000xf32, #tpu.memory_space<hbm>> -> memref<64x128xf32, #tpu.memory_space<hbm>>
      tpu.enqueue_dma source(%dma_start3A_432 : memref<64x128xf32, #tpu.memory_space<hbm>>) target(%dma_start3A_430 : memref<64x128xf32, #tpu.memory_space<vmem>>) target_semaphore(%dma_start3A_426 : memref<!tpu.dma_semaphore, #tpu.memory_space<semaphore_mem>>)
      %dma_start3A_433 = arith.constant 0 : i32
      %dma_start3A_434 = arith.constant 0 : i32
      %dma_start3A_435 = tpu.memref_slice %arg11[%rem3A_361, %dma_start3A_433, %dma_start3A_434] : memref<7x64x128xf32, #tpu.memory_space<vmem>> -> memref<1x64x128xf32, #tpu.memory_space<vmem>>
      %dma_start3A_436 = tpu.memref_squeeze %dma_start3A_435 : memref<1x64x128xf32, #tpu.memory_space<vmem>> -> memref<64x128xf32, #tpu.memory_space<vmem>>
      %dma_start3A_437 = arith.constant 0 : i32
      %dma_start3A_438 = tpu.memref_slice %arg3[%dma_start3A_437, %multiple_of3A_418] : memref<64x1000000xf32, #tpu.memory_space<hbm>> -> memref<64x128xf32, #tpu.memory_space<hbm>>
      %dma_start3A_439 = tpu.memref_slice %arg13[%rem3A_361] : memref<7x!tpu.dma_semaphore, #tpu.memory_space<semaphore_mem>> -> memref<1x!tpu.dma_semaphore, #tpu.memory_space<semaphore_mem>>
      %dma_start3A_440 = tpu.memref_squeeze %dma_start3A_439 : memref<1x!tpu.dma_semaphore, #tpu.memory_space<semaphore_mem>> -> memref<!tpu.dma_semaphore, #tpu.memory_space<semaphore_mem>>
      %dma_start3A_441 = arith.constant 0 : i32
      %dma_start3A_442 = arith.constant 0 : i32
      %dma_start3A_443 = tpu.memref_slice %arg11[%rem3A_361, %dma_start3A_441, %dma_start3A_442] : memref<7x64x128xf32, #tpu.memory_space<vmem>> -> memref<1x64x128xf32, #tpu.memory_space<vmem>>
      %dma_start3A_444 = tpu.memref_squeeze %dma_start3A_443 : memref<1x64x128xf32, #tpu.memory_space<vmem>> -> memref<64x128xf32, #tpu.memory_space<vmem>>
      %dma_start3A_445 = arith.constant 0 : i32
      %dma_start3A_446 = tpu.memref_slice %arg3[%dma_start3A_445, %multiple_of3A_418] : memref<64x1000000xf32, #tpu.memory_space<hbm>> -> memref<64x128xf32, #tpu.memory_space<hbm>>
      tpu.enqueue_dma source(%dma_start3A_446 : memref<64x128xf32, #tpu.memory_space<hbm>>) target(%dma_start3A_444 : memref<64x128xf32, #tpu.memory_space<vmem>>) target_semaphore(%dma_start3A_440 : memref<!tpu.dma_semaphore, #tpu.memory_space<semaphore_mem>>)
      %get3A_447 = arith.index_cast %scan3A_359 : i32 to index
      %get3A_448 = memref.load %arg7[%get3A_447] : memref<512xi32, #tpu.memory_space<smem>>
      %get3A_449 = arith.index_cast %scan3A_359 : i32 to index
      %get3A_450 = memref.load %arg8[%get3A_449] : memref<512xi32, #tpu.memory_space<smem>>
      %and3A = arith.constant 127 : i32
      %and3A_451 = arith.andi %get3A_448, %and3A : i32
      %broadcast_in_dim3A_452 = vector.broadcast %and3A_451 : i32 to vector<16xi32>
      %and3A_453 = arith.constant 127 : i32
      %and3A_454 = arith.andi %get3A_450, %and3A_453 : i32
      %broadcast_in_dim3A_455 = vector.broadcast %and3A_454 : i32 to vector<16xi32>
      %broadcast_in_dim3A_456 = vector.broadcast %rem3A_361 : i32 to vector<16xi32>
      %broadcast_in_dim3A_457 = arith.constant 0.000000e+00 : f32
      %broadcast_in_dim3A_458 = vector.broadcast %broadcast_in_dim3A_457 : f32 to vector<16xf32>
      %add3A_459 = arith.constant 0 : i32
      %add3A_460 = vector.broadcast %add3A_459 : i32 to vector<16xi32>
      %add3A_461 = arith.addi %iota3A, %add3A_460 : vector<16xi32>
      %gather3A = tpu.vector_load_idx %arg10[%broadcast_in_dim3A_456, %add3A_461, %broadcast_in_dim3A_452] : memref<7x64x128xf32, #tpu.memory_space<vmem>>[vector<16xi32>, vector<16xi32>, vector<16xi32>], vector<16xf32>,
      %gather3A_462 = tpu.vector_load_idx %arg11[%broadcast_in_dim3A_456, %add3A_461, %broadcast_in_dim3A_455] : memref<7x64x128xf32, #tpu.memory_space<vmem>>[vector<16xi32>, vector<16xi32>, vector<16xi32>], vector<16xf32>,
      %mul3A_463 = arith.mulf %gather3A, %gather3A_462 : vector<16xf32>
      %add3A_464 = arith.addf %broadcast_in_dim3A_458, %mul3A_463 : vector<16xf32>
      %add3A_465 = arith.constant 16 : i32
      %add3A_466 = vector.broadcast %add3A_465 : i32 to vector<16xi32>
      %add3A_467 = arith.addi %iota3A, %add3A_466 : vector<16xi32>
      %gather3A_468 = tpu.vector_load_idx %arg10[%broadcast_in_dim3A_456, %add3A_467, %broadcast_in_dim3A_452] : memref<7x64x128xf32, #tpu.memory_space<vmem>>[vector<16xi32>, vector<16xi32>, vector<16xi32>], vector<16xf32>,
      %gather3A_469 = tpu.vector_load_idx %arg11[%broadcast_in_dim3A_456, %add3A_467, %broadcast_in_dim3A_455] : memref<7x64x128xf32, #tpu.memory_space<vmem>>[vector<16xi32>, vector<16xi32>, vector<16xi32>], vector<16xf32>,
      %mul3A_470 = arith.mulf %gather3A_468, %gather3A_469 : vector<16xf32>
      %add3A_471 = arith.addf %add3A_464, %mul3A_470 : vector<16xf32>
      %add3A_472 = arith.constant 32 : i32
      %add3A_473 = vector.broadcast %add3A_472 : i32 to vector<16xi32>
      %add3A_474 = arith.addi %iota3A, %add3A_473 : vector<16xi32>
      %gather3A_475 = tpu.vector_load_idx %arg10[%broadcast_in_dim3A_456, %add3A_474, %broadcast_in_dim3A_452] : memref<7x64x128xf32, #tpu.memory_space<vmem>>[vector<16xi32>, vector<16xi32>, vector<16xi32>], vector<16xf32>,
      %gather3A_476 = tpu.vector_load_idx %arg11[%broadcast_in_dim3A_456, %add3A_474, %broadcast_in_dim3A_455] : memref<7x64x128xf32, #tpu.memory_space<vmem>>[vector<16xi32>, vector<16xi32>, vector<16xi32>], vector<16xf32>,
      %mul3A_477 = arith.mulf %gather3A_475, %gather3A_476 : vector<16xf32>
      %add3A_478 = arith.addf %add3A_471, %mul3A_477 : vector<16xf32>
      %add3A_479 = arith.constant 48 : i32
      %add3A_480 = vector.broadcast %add3A_479 : i32 to vector<16xi32>
      %add3A_481 = arith.addi %iota3A, %add3A_480 : vector<16xi32>
      %gather3A_482 = tpu.vector_load_idx %arg10[%broadcast_in_dim3A_456, %add3A_481, %broadcast_in_dim3A_452] : memref<7x64x128xf32, #tpu.memory_space<vmem>>[vector<16xi32>, vector<16xi32>, vector<16xi32>], vector<16xf32>,
      %gather3A_483 = tpu.vector_load_idx %arg11[%broadcast_in_dim3A_456, %add3A_481, %broadcast_in_dim3A_455] : memref<7x64x128xf32, #tpu.memory_space<vmem>>[vector<16xi32>, vector<16xi32>, vector<16xi32>], vector<16xf32>,
      %mul3A_484 = arith.mulf %gather3A_482, %gather3A_483 : vector<16xf32>
      %add3A_485 = arith.addf %add3A_478, %mul3A_484 : vector<16xf32>
      %reduce_sum3A = arith.constant true
      %reduce_sum3A_486 = vector.broadcast %reduce_sum3A : i1 to vector<16xi1>
      %reduce_sum3A_487 = tpu.scan <sum>, %add3A_485 masked %reduce_sum3A_486 : vector<16xf32>, vector<16xi1> -> vector<16xf32>
      %reduce_sum3A_488 = vector.extract %reduce_sum3A_487[15] : f32 from vector<16xf32>
      %and3A_489 = arith.constant 15 : i32
      %and3A_490 = arith.andi %scan3A_359, %and3A_489 : i32
      %eq3A = vector.broadcast %and3A_490 : i32 to vector<16xi32>
      %eq3A_491 = arith.cmpi eq, %iota3A, %eq3A : vector<16xi32>
      %broadcast_in_dim3A_492 = vector.broadcast %reduce_sum3A_488 : f32 to vector<16xf32>
      %select_n3A = arith.select %eq3A_491, %broadcast_in_dim3A_492, %scan3A_360 : vector<16xi1>, vector<16xf32>
      %and3A_493 = arith.constant 15 : i32
      %and3A_494 = arith.andi %scan3A_359, %and3A_493 : i32
      %eq3A_495 = arith.constant 15 : i32
      %eq3A_496 = arith.cmpi eq, %and3A_494, %eq3A_495 : i32
      %convert_element_type3A = arith.extui %eq3A_496 : i1 to i32
      %cond3A = arith.constant 0 : i32
      %cond3A_497 = arith.cmpi ne, %convert_element_type3A, %cond3A : i32
      scf.if %cond3A_497 {
        %shift_right_arithmetic3A_498 = arith.constant 4 : i32
        %shift_right_arithmetic3A_499 = arith.shrsi %scan3A_359, %shift_right_arithmetic3A_498 : i32
        %mul3A_500 = arith.constant 16 : i32
        %mul3A_501 = arith.muli %shift_right_arithmetic3A_499, %mul3A_500 : i32
        %swap3A = arith.index_cast %mul3A_501 : i32 to index
        %swap3A_502 = tpu.vector_load %arg12[%swap3A] {strides = array<i32>} : memref<512xf32, #tpu.memory_space<vmem>>, vector<16xf32>,
        tpu.vector_store %arg12[%swap3A], %select_n3A {strides = array<i32>} : memref<512xf32, #tpu.memory_space<vmem>>, vector<16xf32>,
      } else {
      }
      scf.yield %select_n3A : vector<16xf32>
    }
    %scan3A_352 = arith.constant 505 : i32
    %scan3A_353 = arith.constant 505 : i32
    %scan3A_354 = arith.constant 7 : i32
    %scan3A_355 = arith.addi %scan3A_353, %scan3A_354 : i32
    %scan3A_356 = arith.constant 1 : i32
    %scan3A_357 = scf.for %scan3A_359 = %scan3A_353 to %scan3A_355 step %scan3A_356 iter_args(%scan3A_360 = %scan3A_351) -> (vector<16xf32>)  : i32 {
      %rem3A = arith.constant 7 : i32
      %rem3A_361 = arith.remsi %scan3A_359, %rem3A : i32
      %get3A_362 = arith.index_cast %scan3A_359 : i32 to index
      %get3A_363 = memref.load %arg7[%get3A_362] : memref<512xi32, #tpu.memory_space<smem>>
      %shift_right_arithmetic3A_364 = arith.constant 7 : i32
      %shift_right_arithmetic3A_365 = arith.shrsi %get3A_363, %shift_right_arithmetic3A_364 : i32
      %mul3A_366 = arith.constant 128 : i32
      %mul3A_367 = arith.muli %shift_right_arithmetic3A_365, %mul3A_366 : i32
      %multiple_of3A_368 = tpu.assume_multiple %mul3A_367, 128 : i32
      %get3A_369 = arith.index_cast %scan3A_359 : i32 to index
      %get3A_370 = memref.load %arg8[%get3A_369] : memref<512xi32, #tpu.memory_space<smem>>
      %shift_right_arithmetic3A_371 = arith.constant 7 : i32
      %shift_right_arithmetic3A_372 = arith.shrsi %get3A_370, %shift_right_arithmetic3A_371 : i32
      %mul3A_373 = arith.constant 128 : i32
      %mul3A_374 = arith.muli %shift_right_arithmetic3A_372, %mul3A_373 : i32
      %multiple_of3A_375 = tpu.assume_multiple %mul3A_374, 128 : i32
      %dma_wait3A = arith.constant 0 : i32
      %dma_wait3A_376 = arith.constant 0 : i32
      %dma_wait3A_377 = tpu.memref_slice %arg10[%rem3A_361, %dma_wait3A, %dma_wait3A_376] : memref<7x64x128xf32, #tpu.memory_space<vmem>> -> memref<1x64x128xf32, #tpu.memory_space<vmem>>
      %dma_wait3A_378 = tpu.memref_squeeze %dma_wait3A_377 : memref<1x64x128xf32, #tpu.memory_space<vmem>> -> memref<64x128xf32, #tpu.memory_space<vmem>>
      %dma_wait3A_379 = arith.constant 0 : i32
      %dma_wait3A_380 = tpu.memref_slice %arg2[%dma_wait3A_379, %multiple_of3A_368] : memref<64x1000000xf32, #tpu.memory_space<hbm>> -> memref<64x128xf32, #tpu.memory_space<hbm>>
      %dma_wait3A_381 = tpu.memref_slice %arg13[%rem3A_361] : memref<7x!tpu.dma_semaphore, #tpu.memory_space<semaphore_mem>> -> memref<1x!tpu.dma_semaphore, #tpu.memory_space<semaphore_mem>>
      %dma_wait3A_382 = tpu.memref_squeeze %dma_wait3A_381 : memref<1x!tpu.dma_semaphore, #tpu.memory_space<semaphore_mem>> -> memref<!tpu.dma_semaphore, #tpu.memory_space<semaphore_mem>>
      %dma_wait3A_383 = arith.constant 0 : i32
      %dma_wait3A_384 = arith.constant 0 : i32
      %dma_wait3A_385 = tpu.memref_slice %arg10[%rem3A_361, %dma_wait3A_383, %dma_wait3A_384] : memref<7x64x128xf32, #tpu.memory_space<vmem>> -> memref<1x64x128xf32, #tpu.memory_space<vmem>>
      %dma_wait3A_386 = tpu.memref_squeeze %dma_wait3A_385 : memref<1x64x128xf32, #tpu.memory_space<vmem>> -> memref<64x128xf32, #tpu.memory_space<vmem>>
      %dma_wait3A_387 = arith.constant 0 : i32
      %dma_wait3A_388 = tpu.memref_slice %arg2[%dma_wait3A_387, %multiple_of3A_368] : memref<64x1000000xf32, #tpu.memory_space<hbm>> -> memref<64x128xf32, #tpu.memory_space<hbm>>
      tpu.wait_dma2 semaphore(%dma_wait3A_382 : memref<!tpu.dma_semaphore, #tpu.memory_space<semaphore_mem>>) src(%dma_wait3A_388 : memref<64x128xf32, #tpu.memory_space<hbm>>) dst(%dma_wait3A_386 : memref<64x128xf32, #tpu.memory_space<vmem>>)
      %dma_wait3A_389 = arith.constant 0 : i32
      %dma_wait3A_390 = arith.constant 0 : i32
      %dma_wait3A_391 = tpu.memref_slice %arg11[%rem3A_361, %dma_wait3A_389, %dma_wait3A_390] : memref<7x64x128xf32, #tpu.memory_space<vmem>> -> memref<1x64x128xf32, #tpu.memory_space<vmem>>
      %dma_wait3A_392 = tpu.memref_squeeze %dma_wait3A_391 : memref<1x64x128xf32, #tpu.memory_space<vmem>> -> memref<64x128xf32, #tpu.memory_space<vmem>>
      %dma_wait3A_393 = arith.constant 0 : i32
      %dma_wait3A_394 = tpu.memref_slice %arg3[%dma_wait3A_393, %multiple_of3A_375] : memref<64x1000000xf32, #tpu.memory_space<hbm>> -> memref<64x128xf32, #tpu.memory_space<hbm>>
      %dma_wait3A_395 = tpu.memref_slice %arg13[%rem3A_361] : memref<7x!tpu.dma_semaphore, #tpu.memory_space<semaphore_mem>> -> memref<1x!tpu.dma_semaphore, #tpu.memory_space<semaphore_mem>>
      %dma_wait3A_396 = tpu.memref_squeeze %dma_wait3A_395 : memref<1x!tpu.dma_semaphore, #tpu.memory_space<semaphore_mem>> -> memref<!tpu.dma_semaphore, #tpu.memory_space<semaphore_mem>>
      %dma_wait3A_397 = arith.constant 0 : i32
      %dma_wait3A_398 = arith.constant 0 : i32
      %dma_wait3A_399 = tpu.memref_slice %arg11[%rem3A_361, %dma_wait3A_397, %dma_wait3A_398] : memref<7x64x128xf32, #tpu.memory_space<vmem>> -> memref<1x64x128xf32, #tpu.memory_space<vmem>>
      %dma_wait3A_400 = tpu.memref_squeeze %dma_wait3A_399 : memref<1x64x128xf32, #tpu.memory_space<vmem>> -> memref<64x128xf32, #tpu.memory_space<vmem>>
      %dma_wait3A_401 = arith.constant 0 : i32
      %dma_wait3A_402 = tpu.memref_slice %arg3[%dma_wait3A_401, %multiple_of3A_375] : memref<64x1000000xf32, #tpu.memory_space<hbm>> -> memref<64x128xf32, #tpu.memory_space<hbm>>
      tpu.wait_dma2 semaphore(%dma_wait3A_396 : memref<!tpu.dma_semaphore, #tpu.memory_space<semaphore_mem>>) src(%dma_wait3A_402 : memref<64x128xf32, #tpu.memory_space<hbm>>) dst(%dma_wait3A_400 : memref<64x128xf32, #tpu.memory_space<vmem>>)
      %get3A_403 = arith.index_cast %scan3A_359 : i32 to index
      %get3A_404 = memref.load %arg7[%get3A_403] : memref<512xi32, #tpu.memory_space<smem>>
      %get3A_405 = arith.index_cast %scan3A_359 : i32 to index
      %get3A_406 = memref.load %arg8[%get3A_405] : memref<512xi32, #tpu.memory_space<smem>>
      %and3A = arith.constant 127 : i32
      %and3A_407 = arith.andi %get3A_404, %and3A : i32
      %broadcast_in_dim3A_408 = vector.broadcast %and3A_407 : i32 to vector<16xi32>
      %and3A_409 = arith.constant 127 : i32
      %and3A_410 = arith.andi %get3A_406, %and3A_409 : i32
      %broadcast_in_dim3A_411 = vector.broadcast %and3A_410 : i32 to vector<16xi32>
      %broadcast_in_dim3A_412 = vector.broadcast %rem3A_361 : i32 to vector<16xi32>
      %broadcast_in_dim3A_413 = arith.constant 0.000000e+00 : f32
      %broadcast_in_dim3A_414 = vector.broadcast %broadcast_in_dim3A_413 : f32 to vector<16xf32>
      %add3A_415 = arith.constant 0 : i32
      %add3A_416 = vector.broadcast %add3A_415 : i32 to vector<16xi32>
      %add3A_417 = arith.addi %iota3A, %add3A_416 : vector<16xi32>
      %gather3A = tpu.vector_load_idx %arg10[%broadcast_in_dim3A_412, %add3A_417, %broadcast_in_dim3A_408] : memref<7x64x128xf32, #tpu.memory_space<vmem>>[vector<16xi32>, vector<16xi32>, vector<16xi32>], vector<16xf32>,
      %gather3A_418 = tpu.vector_load_idx %arg11[%broadcast_in_dim3A_412, %add3A_417, %broadcast_in_dim3A_411] : memref<7x64x128xf32, #tpu.memory_space<vmem>>[vector<16xi32>, vector<16xi32>, vector<16xi32>], vector<16xf32>,
      %mul3A_419 = arith.mulf %gather3A, %gather3A_418 : vector<16xf32>
      %add3A_420 = arith.addf %broadcast_in_dim3A_414, %mul3A_419 : vector<16xf32>
      %add3A_421 = arith.constant 16 : i32
      %add3A_422 = vector.broadcast %add3A_421 : i32 to vector<16xi32>
      %add3A_423 = arith.addi %iota3A, %add3A_422 : vector<16xi32>
      %gather3A_424 = tpu.vector_load_idx %arg10[%broadcast_in_dim3A_412, %add3A_423, %broadcast_in_dim3A_408] : memref<7x64x128xf32, #tpu.memory_space<vmem>>[vector<16xi32>, vector<16xi32>, vector<16xi32>], vector<16xf32>,
      %gather3A_425 = tpu.vector_load_idx %arg11[%broadcast_in_dim3A_412, %add3A_423, %broadcast_in_dim3A_411] : memref<7x64x128xf32, #tpu.memory_space<vmem>>[vector<16xi32>, vector<16xi32>, vector<16xi32>], vector<16xf32>,
      %mul3A_426 = arith.mulf %gather3A_424, %gather3A_425 : vector<16xf32>
      %add3A_427 = arith.addf %add3A_420, %mul3A_426 : vector<16xf32>
      %add3A_428 = arith.constant 32 : i32
      %add3A_429 = vector.broadcast %add3A_428 : i32 to vector<16xi32>
      %add3A_430 = arith.addi %iota3A, %add3A_429 : vector<16xi32>
      %gather3A_431 = tpu.vector_load_idx %arg10[%broadcast_in_dim3A_412, %add3A_430, %broadcast_in_dim3A_408] : memref<7x64x128xf32, #tpu.memory_space<vmem>>[vector<16xi32>, vector<16xi32>, vector<16xi32>], vector<16xf32>,
      %gather3A_432 = tpu.vector_load_idx %arg11[%broadcast_in_dim3A_412, %add3A_430, %broadcast_in_dim3A_411] : memref<7x64x128xf32, #tpu.memory_space<vmem>>[vector<16xi32>, vector<16xi32>, vector<16xi32>], vector<16xf32>,
      %mul3A_433 = arith.mulf %gather3A_431, %gather3A_432 : vector<16xf32>
      %add3A_434 = arith.addf %add3A_427, %mul3A_433 : vector<16xf32>
      %add3A_435 = arith.constant 48 : i32
      %add3A_436 = vector.broadcast %add3A_435 : i32 to vector<16xi32>
      %add3A_437 = arith.addi %iota3A, %add3A_436 : vector<16xi32>
      %gather3A_438 = tpu.vector_load_idx %arg10[%broadcast_in_dim3A_412, %add3A_437, %broadcast_in_dim3A_408] : memref<7x64x128xf32, #tpu.memory_space<vmem>>[vector<16xi32>, vector<16xi32>, vector<16xi32>], vector<16xf32>,
      %gather3A_439 = tpu.vector_load_idx %arg11[%broadcast_in_dim3A_412, %add3A_437, %broadcast_in_dim3A_411] : memref<7x64x128xf32, #tpu.memory_space<vmem>>[vector<16xi32>, vector<16xi32>, vector<16xi32>], vector<16xf32>,
      %mul3A_440 = arith.mulf %gather3A_438, %gather3A_439 : vector<16xf32>
      %add3A_441 = arith.addf %add3A_434, %mul3A_440 : vector<16xf32>
      %reduce_sum3A = arith.constant true
      %reduce_sum3A_442 = vector.broadcast %reduce_sum3A : i1 to vector<16xi1>
      %reduce_sum3A_443 = tpu.scan <sum>, %add3A_441 masked %reduce_sum3A_442 : vector<16xf32>, vector<16xi1> -> vector<16xf32>
      %reduce_sum3A_444 = vector.extract %reduce_sum3A_443[15] : f32 from vector<16xf32>
      %and3A_445 = arith.constant 15 : i32
      %and3A_446 = arith.andi %scan3A_359, %and3A_445 : i32
      %eq3A = vector.broadcast %and3A_446 : i32 to vector<16xi32>
      %eq3A_447 = arith.cmpi eq, %iota3A, %eq3A : vector<16xi32>
      %broadcast_in_dim3A_448 = vector.broadcast %reduce_sum3A_444 : f32 to vector<16xf32>
      %select_n3A = arith.select %eq3A_447, %broadcast_in_dim3A_448, %scan3A_360 : vector<16xi1>, vector<16xf32>
      %and3A_449 = arith.constant 15 : i32
      %and3A_450 = arith.andi %scan3A_359, %and3A_449 : i32
      %eq3A_451 = arith.constant 15 : i32
      %eq3A_452 = arith.cmpi eq, %and3A_450, %eq3A_451 : i32
      %convert_element_type3A = arith.extui %eq3A_452 : i1 to i32
      %cond3A = arith.constant 0 : i32
      %cond3A_453 = arith.cmpi ne, %convert_element_type3A, %cond3A : i32
      scf.if %cond3A_453 {
        %shift_right_arithmetic3A_454 = arith.constant 4 : i32
        %shift_right_arithmetic3A_455 = arith.shrsi %scan3A_359, %shift_right_arithmetic3A_454 : i32
        %mul3A_456 = arith.constant 16 : i32
        %mul3A_457 = arith.muli %shift_right_arithmetic3A_455, %mul3A_456 : i32
        %swap3A = arith.index_cast %mul3A_457 : i32 to index
        %swap3A_458 = tpu.vector_load %arg12[%swap3A] {strides = array<i32>} : memref<512xf32, #tpu.memory_space<vmem>>, vector<16xf32>,
        tpu.vector_store %arg12[%swap3A], %select_n3A {strides = array<i32>} : memref<512xf32, #tpu.memory_space<vmem>>, vector<16xf32>,
      } else {
      }
      scf.yield %select_n3A : vector<16xf32>
    }
    %scan3A_358 = arith.constant 7 : i32
    "tpu.region"() ({
      %run_scoped3A = tpu.sem_alloc : memref<!tpu.dma_semaphore, #tpu.memory_space<semaphore_mem>>
      %dma_start3A_359 = tpu.memref_slice %arg6[%mul3A_2] : memref<16384xf32, #tpu.memory_space<hbm>> -> memref<512xf32, #tpu.memory_space<hbm>>
      %dma_start3A_360 = tpu.memref_slice %arg6[%mul3A_2] : memref<16384xf32, #tpu.memory_space<hbm>> -> memref<512xf32, #tpu.memory_space<hbm>>
      tpu.enqueue_dma source(%arg12 : memref<512xf32, #tpu.memory_space<vmem>>) target(%dma_start3A_360 : memref<512xf32, #tpu.memory_space<hbm>>) target_semaphore(%run_scoped3A : memref<!tpu.dma_semaphore, #tpu.memory_space<semaphore_mem>>)
      %dma_wait3A = tpu.memref_slice %arg6[%mul3A_2] : memref<16384xf32, #tpu.memory_space<hbm>> -> memref<512xf32, #tpu.memory_space<hbm>>
      %dma_wait3A_361 = tpu.memref_slice %arg6[%mul3A_2] : memref<16384xf32, #tpu.memory_space<hbm>> -> memref<512xf32, #tpu.memory_space<hbm>>
      tpu.wait_dma2 semaphore(%run_scoped3A : memref<!tpu.dma_semaphore, #tpu.memory_space<semaphore_mem>>) src(%arg12 : memref<512xf32, #tpu.memory_space<vmem>>) dst(%dma_wait3A_361 : memref<512xf32, #tpu.memory_space<hbm>>)
      tpu.yield
    }) : () -> ()
    return
  }
}

</mosaic_0001>

<sc_bundles>
// kernel: kernel.3.cloned.1.call-start
scs
__scs_entry_jumppad:
0x0: {  	(pc) =	sbr.rel $0x88, $3  }
0x1: {  	(tag) =	ssettag $0x0;
	lr =	simm.s32 $0x1  }
0x2: {  	[smem:$0x3F9D] =	sst lr;
	_ =	strace $0xD0000000  }
0x3: {  	_ = 	snop  }
0x4: {  	_ = 	snop  }
0x5: {  	_ = 	snop  }
0x6: {  	_ = 	snop  }
0x7: {  	_ = 	snop  }
__scs_overlays_trampoline_lowered:
0x8: {  	[smem:$0x3FAC] =	sst s0  }
0x9: {  	[smem:$0x3FAD] =	sst s1  }
0xa: {  	[smem:$0x3FAE] =	sst s2  }
0xb: {  	[smem:$0x3FAF] =	sst s3  }
0xc: {  	[smem:$0x3FB0] =	sst s4  }
0xd: {  	[smem:$0x3FB1] =	sst s5  }
0xe: {  	[smem:$0x3FB2] =	sst s6  }
0xf: {  	[smem:$0x3FB3] =	sst s7  }
0x10: {  	[smem:$0x3FB4] =	sst s8  }
0x11: {  	[smem:$0x3FB5] =	sst s9;
	s0 =	simm.s32 @!p0 $0x0  }
0x12: {  	s1 =	sld [smem:$0x3F9B];
	s0 =	simm.s32 @p0 $0x1  }
0x13: {  	[smem:$0x3FB6] =	sst s0;
	s0 =	simm.s32 @!p1 $0x0  }
0x14: {  	s2 =	sld [smem:$0x3F9A];
	s0 =	simm.s32 @p1 $0x1  }
0x15: {  	[smem:$0x3FB7] =	sst s0;
	s0 =	simm.s32 @!p2 $0x0  }
0x16: {  	s3 =	sld [smem:$0x3FDB];
	s0 =	simm.s32 @p2 $0x1  }
0x17: {  	s4 =	simm.s32 $0x1BF5;
	[smem:$0x3FB9] =	sst s0  }
0x18: {  	s0 =	sld [smem:$0x3F9C];
	_ =	swait.ge [sflag:s4], $0x0  }
0x19: {  	s7 =	sld [smem:$0x3F9D]  }
0x1a: {  	s8 =	sadd.s32 $0xFFFFE003, lr  }
0x1b: {  	s9 =	sadd.s32 $0xFFFFFEF7, lr;
	s5 =	simm.s32 $0xFFFFFFFF;
	p2 =	slt.u32 s8, $0xFFFFF086  }
0x1c: {  	p1 =	slt.u32 s9, $0xF7A;
	s5 =	simm.s32 @!p2 $0x0  }
0x1d: {  	s5 =	simm.s32 @p1 $0x1;
	p0 =	seq.s32 s7, s2  }
0x1e: {  	s7 =	smul.u32 @!p0 $0xF7A, s2;
	p2 =	seq.s32 @!p0 s5, $0x0  }
0x1f: {  	s9 =	smul.u32 $0xF7A, s1;
	s8 =	simm.s32 @!p0 $0x1BF5;
	p2 =	por !p2, p0  }
0x20: {  	[sflag:s8] =	ssyncset.s32 @!p0 $0xFFFFF086;
	s6 =	sadd.s32 @!p0 s3, s7;
	s7 =	simm.s32 @!p0 $0x108  }
0x21: {  	s3 =	sadd.s32 s3, s9;
	s6 =	sadd.s32 @!p0 $0x88, s6;
	s7 =	simm.s32 @p2 $0x1082  }
0x22: {  	[simem:s7], [sflag:s8] =	dma.local @!p0 [hbm:s6], $0xF7A  }
0x23: {  	s9 =	sor.u32 $0xD0000000, s2;
	s6 =	simm.s32 $0x108;
	_ =	swait.ge @!p0 [sflag:s8], $0x0  }
0x24: {  	s3 =	sadd.s32 $0x88, s3;
	s6 =	simm.s32 @!p1 $0x1082;
	[sflag:s4] =	ssyncset.s32 $0xFFFFF086  }
0x25: {  	[simem:s6], [sflag:s4] =	dma.local [hbm:s3], $0xF7A  }
0x26: {  	[smem:$0x3F9D] =	sst s1;
	(tag) =	ssettag s2;
	_ =	strace s9  }
0x27: {  	s1 =	sld [smem:$0x3FAD]  }
0x28: {  	s2 =	sld [smem:$0x3FAE]  }
0x29: {  	s4 =	sld [smem:$0x3FB0]  }
0x2a: {  	p0 =	seq.s32 s5, $0x0;
	s5 =	sld [smem:$0x3FB1]  }
0x2b: {  	s6 =	sld [smem:$0x3FB2]  }
0x2c: {  	s7 =	sld [smem:$0x3FB3]  }
0x2d: {  	s3 =	simm.s32 $0x108;
	s8 =	sld [smem:$0x3FB4]  }
0x2e: {  	s3 =	simm.s32 @!p0 $0x1082;
	s9 =	sld [smem:$0x3FB5]  }
0x2f: {  	lr =	sadd.s32 s0, s3;
	s0 =	sld [smem:$0x3FAC]  }
0x30: {  	s3 =	sld [smem:$0x3FAF]  }
0x31: {  	[smem:$0x3FB8] =	sst s10  }
0x32: {  	s10 =	sld [smem:$0x3FB6];
	_ =	sdelay $0x3  }
0x33: {  	p0 =	seq.s32 s10, $0x1;
	s10 =	sld [smem:$0x3FB8];
	_ =	sdelay $0x3  }
0x34: {  	[smem:$0x3FB8] =	sst s10  }
0x35: {  	s10 =	sld [smem:$0x3FB7];
	_ =	sdelay $0x3  }
0x36: {  	p1 =	seq.s32 s10, $0x1;
	s10 =	sld [smem:$0x3FB8];
	_ =	sdelay $0x3  }
0x37: {  	[smem:$0x3FB8] =	sst s10  }
0x38: {  	s10 =	sld [smem:$0x3FB9]  }
0x39: {  	_ = 	snop;
	(pc) =	sbr.ind lr, $3  }
0x3a: {  	_ = 	snop  }
0x3b: {  	_ = 	snop  }
0x3c: {  	p2 =	seq.s32 s10, $0x1;
	s10 =	sld [smem:$0x3FB8]  }
0x3d: {  	_ =	shalt  }
0x3e: {  	_ =	shalt  }
0x3f: {  	_ =	shalt  }
0x40: {  	_ =	shalt  }
0x41: {  	_ =	shalt  }
0x42: {  	_ =	shalt  }
0x43: {  	_ =	shalt  }
0x44: {  	_ =	shalt  }
0x45: {  	_ =	shalt  }
0x46: {  	_ =	shalt  }
0x47: {  	_ =	shalt  }
0x48: {  	_ =	shalt  }
0x49: {  	_ =	shalt  }
0x4a: {  	_ =	shalt  }
0x4b: {  	_ =	shalt  }
0x4c: {  	_ =	shalt  }
0x4d: {  	_ =	shalt  }
0x4e: {  	_ =	shalt  }
0x4f: {  	_ =	shalt  }
0x50: {  	_ =	shalt  }
0x51: {  	_ =	shalt  }
0x52: {  	_ =	shalt  }
0x53: {  	_ =	shalt  }
0x54: {  	_ =	shalt  }
0x55: {  	_ =	shalt  }
0x56: {  	_ =	shalt  }
0x57: {  	_ =	shalt  }
0x58: {  	_ =	shalt  }
0x59: {  	_ =	shalt  }
0x5a: {  	_ =	shalt  }
0x5b: {  	_ =	shalt  }
0x5c: {  	_ =	shalt  }
0x5d: {  	_ =	shalt  }
0x5e: {  	_ =	shalt  }
0x5f: {  	_ =	shalt  }
0x60: {  	_ =	shalt  }
0x61: {  	_ =	shalt  }
0x62: {  	_ =	shalt  }
0x63: {  	_ =	shalt  }
0x64: {  	_ =	shalt  }
0x65: {  	_ =	shalt  }
0x66: {  	_ =	shalt  }
0x67: {  	_ =	shalt  }
0x68: {  	_ =	shalt  }
0x69: {  	_ =	shalt  }
0x6a: {  	_ =	shalt  }
0x6b: {  	_ =	shalt  }
0x6c: {  	_ =	shalt  }
0x6d: {  	_ =	shalt  }
0x6e: {  	_ =	shalt  }
0x6f: {  	_ =	shalt  }
0x70: {  	_ =	shalt  }
0x71: {  	_ =	shalt  }
0x72: {  	_ =	shalt  }
0x73: {  	_ =	shalt  }
0x74: {  	_ =	shalt  }
0x75: {  	_ =	shalt  }
0x76: {  	_ =	shalt  }
0x77: {  	_ =	shalt  }
0x78: {  	_ =	shalt  }
0x79: {  	_ =	shalt  }
0x7a: {  	_ =	shalt  }
0x7b: {  	_ =	shalt  }
0x7c: {  	_ =	shalt  }
0x7d: {  	_ =	shalt  }
0x7e: {  	_ =	shalt  }
0x7f: {  	_ =	shalt  }
0x80: {  	_ =	shalt  }
0x81: {  	_ =	shalt  }
0x82: {  	_ =	shalt  }
0x83: {  	_ =	shalt  }
0x84: {  	_ =	shalt  }
0x85: {  	_ =	shalt  }
0x86: {  	_ =	shalt  }
0x87: {  	_ =	shalt  }
.Lfunc_end0:
.L_simem_size_0:
called_computation_lowered:
.L_overlay_start_0:
0x88: {  	s2 =	sld [smem:$0x3FD9]  }
0x89: {  	s3 =	sld [smem:$0x3FFE];
	_ =	sdelay $0x1  }
0x8a: {  	s1 =	srdreg.scid  }
0x8b: {  	s0 =	sand.u32 $0x1, s1  }
0x8c: {  	s18 =	sshll.u32 s0, $0xA;
	s2 =	sadd.s32 s3, s2  }
0x8d: {  	s2 =	sadd.s32 s2, s18  }
0x8e: {  	[smem:$0x3FC4] =	sst s2  }
0x8f: {  	_ = 	snop  }
0x90: {  	s2 =	sld [smem:$0x3FC9]  }
0x91: {  	s19 =	sld [smem:$0x3FC8]  }
0x92: {  	s4 =	sld [smem:$0x3FC7]  }
0x93: {  	s5 =	sld [smem:$0x3FC6]  }
0x94: {  	s6 =	sld [smem:$0x3FD0];
	(tm) =	ssettm $0x1  }
0x95: {  	s7 =	sld [smem:$0x3FFB];
	_ =	sdelay $0x3  }
0x96: {  	_ =	strace s7  }
0x97: {  	s7 =	sld [smem:$0x3FFC];
	_ =	sdelay $0x3  }
0x98: {  	_ =	strace s7  }
0x99: {  	s7 =	sld [smem:$0x3FFD];
	_ =	sdelay $0x3  }
0x9a: {  	_ =	strace s7  }
0x9b: {  	_ =	strace $0x8FFFFFFF  }
0x9c: {  	s20 =	sld [smem:$0x3FDB];
	_ =	sdelay $0x1  }
0x9d: {  	s8 =	simm.s32 $_scs_section_size  }
0x9e: {  	s9 =	simm.s32 $_size__tile_overlayer_lowered;
	s10 =	simm.s32 $_tile_overlayer_lowered  }
0x9f: {  	s23 =	simm.s32 $0x1BFF;
	s22 =	sshll.u32 s10, $0x1;
	s7 =	sadd.s32 s8, s20  }
0xa0: {  	s11 =	simm.s32 $0x0;
	s21 =	sshll.u32 s9, $0x1;
	s9 =	sadd.s32 s22, s7  }
0xa1: {  	[timem:s11], [sflag:s23] =	dma.local [hbm:s9], s21  }
0xa2: {  	_ =	swait.ge [sflag:s23], s21  }
0xa3: {  	s8 =	ssub.s32 $0x0, s21;
	[sflag:s23] =	ssyncset.done $0x0  }
0xa4: {  	[sflag:s23] =	ssyncadd.s32 s8;
	_ =	sdelay $0x1  }
0xa5: {  	s24 =	simm.s32 $0x1B8B  }
0xa6: {  	_ =	swait.ge [sflag:s24], $0x1  }
0xa7: {  	[sflag:s24] =	ssyncset.done $0x0  }
0xa8: {  	s25 =	simm.s32 $0x1B8E;
	[sflag:s24] =	ssyncadd.s32 $0xFFFFFFFF  }
0xa9: {  	s26 =	simm.s32 $execute0_lowered;
	[smem:$0x3FD2] =	sst s25  }
0xaa: {  	s8 =	sshll.u32 s26, $0x1;
	_ =	strace $0x80000046;
	[dreg:$0x1] =	wrdreg $0xFFFFFFFF  }
0xab: {  	s28 =	simm.s32 $_size_execute0_lowered;
	s7 =	sadd.s32 s7, s8;
	[dreg:$0x0] =	wrdreg $0x0  }
0xac: {  	s8 =	sshll.u32 s28, $0x1;
	[dreg:$0x2] =	wrdreg s7  }
0xad: {  	[dreg:$0x3] =	wrdreg s8  }
0xae: {  	[dreg:$0x4] =	wrdreg $0xC0  }
0xaf: {  	_ =	task [dreg:s11], $0x5FFFF  }
0xb0: {  	[dreg:$0x1] =	wrdreg $0xFFFFFFFF  }
0xb1: {  	[dreg:$0x0] =	wrdreg $0x60  }
0xb2: {  	[dreg:$0x2] =	wrdreg s2  }
0xb3: {  	[dreg:$0x3] =	wrdreg s19  }
0xb4: {  	[dreg:$0x4] =	wrdreg s4  }
0xb5: {  	[dreg:$0x5] =	wrdreg s5  }
0xb6: {  	[dreg:$0x6] =	wrdreg s6  }
0xb7: {  	[dreg:$0x7] =	wrdreg $0x9  }
0xb8: {  	_ =	task.clear_ibuf [dreg:s11], $0x8FFFF;
	_ =	strace $0x90000046  }
0xb9: {  	s29 =	simm.s32 $0x9;
	_ =	strace $0x80000048  }
0xba: {  	_ =	swait.ge [sflag:s29], $0x1  }
0xbb: {  	[sflag:s29] =	ssyncadd.s32 $0xFFFFFFFF  }
0xbc: {  	_ =	strace $0x90000048  }
0xbd: {  	_ =	sfence  }
0xbe: {  	s30 =	sld [smem:$0x0];
	_ =	sdelay $0x2  }
0xbf: {  	s31 =	sshll.u32 s1, $0xD;
	s1 =	sshrl.u32 s1, $0x2  }
0xc0: {  	s3 =	sand.u32 $0x4000, s31;
	s1 =	sadd.s32 s1, s30  }
0xc1: {  	s0 =	sor.u32 s3, s0;
	s1 =	sshll.u32 s1, $0x11  }
0xc2: {  	s0 =	sor.u32 s1, s0  }
0xc3: {  	s0 =	sadd.s32 $0x8F2B, s0  }
0xc4: {  	[sflag:s0] =	ssyncadd.remote.s32 $0x1  }
0xc5: {  	_ =	sfence.sel $0xFFFF  }
0xc6: {  	[dreg:$0x0] =	wrdreg $0xFFFFFFFF;
	(pc) =	sbr.abs _section_cstart, $3  }
0xc7: {  	[dreg:$0x1] =	wrdreg $0xFFFFFFFF  }
0xc8: {  	_ =	task.clear_ibuf [dreg:s11], $0x2FFFF;
	_ =	strace $0x9FFFFFFF  }
0xc9: {  	(tm) =	ssettm $0x7FFFFFFF  }
tec
execute0_lowered:
.L_overlay_start_1:
0x0: {  	(tag) =	ssettag $0x1  }
0x1: {  	s1 =	rddreg [dreg:$0x0]  }
0x2: {  	s2 =	rddreg [dreg:$0x1]  }
0x3: {  	s0 =	rddreg [dreg:$0x2]  }
0x4: {  	s3 =	rddreg [dreg:$0x3]  }
0x5: {  	s7 =	rddreg [dreg:$0x4];
	s4 =	simm.s32 $0x0  }
0x6: {  	s5 =	srdreg.scid;
	s8 =	stileid.u32;
	s10 =	simm.s32 $0x400  }
0x7: {  	s11 =	simm.s32 $0x7A1400;
	s12 =	simm.s32 $0xE200;
	s20 =	simm.s32 $0x16200  }
0x8: {  	s21 =	simm.s32 $0xA200;
	s22 =	simm.s32 $0x18200;
	s23 =	simm.s32 $0xC200  }
0x9: {  	s24 =	simm.s32 $0x1A200;
	s25 =	simm.s32 $0x200;
	s26 =	simm.s32 $0x1C200  }
0xa: {  	s28 =	simm.s32 $0x0;
	[smem:$0x7FF] =	sst s4;
	s5 =	sand.u32 $0x1, s5  }
0xb: {  	v0 =	vlaneseq.u32;
	s8 =	sshll.u32 s8, $0x7;
	s6 =	ssub.s32 $0x2, s5;
	s5 =	sshll.u32 s5, $0x6  }
0xc: {  	v1 =	vmul.u32 $0x80, v0;
	_ =	strace $0x80000047;
	s9 =	sshrl.u32 s6, $0x1;
	s8 =	sor.u32 s5, s8  }
0xd: {  	s9 =	ssub.s32 s6, s9;
	s5 =	sadd.s32 s0, s8;
	s6 =	sadd.s32 s3, s8  }
0xe: {  	v2 =	vor.u32 $0x800, v1;
	v3 =	vor.u32 $0x1000, v1;
	v4 =	vor.u32 $0x1800, v1;
	s7 =	sadd.s32 s7, s8;
	s8 =	smax.u32 s9, $0x1;
	s9 =	simm.s32 $0x8  }
.LBB2_1:
0xf: {  	[tilespmem:s4], [sflag:$0x8] =	stream.linear.gather [hbm4b:s5+s4], $0x200, $0x38;
	[tilespmem:$0x1C400] =	vst v63  }
0x10: {  	_ =	swait.ge [sflag:s9], $0x200  }
0x11: {  	[sflag:s9] =	ssyncset.done $0x0  }
0x12: {  	s0 =	simm.s32 $0x0;
	[sflag:s9] =	ssyncadd.s32 $0xFFFFFE00  }
0x13: {  	v6 =	vld [tilespmem:s0+$0x0];
	_ =	sdelay $0x4  }
0x14: {  	(v2sf) =	vpush v6, $0x0  }
0x15: {  	(v2sf) =	vpush v6, $0x1;
	_ =	sdelay $0x1  }
0x16: {  	(v2sf) =	vpush v6, $0x2  }
0x17: {  	(v2sf) =	vpush v6, $0x3  }
0x18: {  	(v2sf) =	vpush v6, $0x4  }
0x19: {  	(v2sf) =	vpush v6, $0x5  }
0x1a: {  	(v2sf) =	vpush v6, $0x6  }
0x1b: {  	(v2sf) =	vpush v6, $0x7  }
0x1c: {  	(v2sf) =	vpush v6, $0x8  }
0x1d: {  	(v2sf) =	vpush v6, $0x9  }
0x1e: {  	s29 =	simm.s32 $0x10;
	(v2sf) =	vpush v6, $0xA  }
0x1f: {  	v5 =	vld [tilespmem:s29+$0x0];
	(v2sf) =	vpush v6, $0xB  }
0x20: {  	(v2sf) =	vpush v6, $0xC  }
0x21: {  	(v2sf) =	vpush v6, $0xD  }
0x22: {  	(v2sf) =	vpush v6, $0xE;
	s3 =	spop (v2sf)  }
0x23: {  	(v2sf) =	vpush v6, $0xF;
	[smem:s0] =	sst s3;
	s31 =	spop (v2sf)  }
0x24: {  	(v2sf) =	vpush v5, $0x0;
	[smem:$0x1] =	sst s31  }
0x25: {  	s3 =	spop (v2sf)  }
0x26: {  	(v2sf) =	vpush v5, $0x1;
	[smem:$0x2] =	sst s3  }
0x27: {  	s3 =	spop (v2sf)  }
0x28: {  	(v2sf) =	vpush v5, $0x2;
	[smem:$0x3] =	sst s3  }
0x29: {  	s3 =	spop (v2sf)  }
0x2a: {  	(v2sf) =	vpush v5, $0x3;
	[smem:$0x4] =	sst s3  }
0x2b: {  	s3 =	spop (v2sf)  }
0x2c: {  	(v2sf) =	vpush v5, $0x4;
	[smem:$0x5] =	sst s3  }
0x2d: {  	s3 =	spop (v2sf)  }
0x2e: {  	(v2sf) =	vpush v5, $0x5;
	[smem:$0x6] =	sst s3  }
0x2f: {  	s3 =	spop (v2sf)  }
0x30: {  	(v2sf) =	vpush v5, $0x6;
	[smem:$0x7] =	sst s3  }
0x31: {  	s3 =	spop (v2sf)  }
0x32: {  	(v2sf) =	vpush v5, $0x7;
	[smem:$0x8] =	sst s3  }
0x33: {  	s3 =	spop (v2sf)  }
0x34: {  	(v2sf) =	vpush v5, $0x8;
	[smem:$0x9] =	sst s3  }
0x35: {  	s3 =	spop (v2sf)  }
0x36: {  	(v2sf) =	vpush v5, $0x9;
	[smem:$0xA] =	sst s3  }
0x37: {  	s3 =	spop (v2sf)  }
0x38: {  	(v2sf) =	vpush v5, $0xA;
	[smem:$0xB] =	sst s3  }
0x39: {  	s13 =	spop (v2sf)  }
0x3a: {  	(v2sf) =	vpush v5, $0xB;
	[smem:$0xC] =	sst s13  }
0x3b: {  	s3 =	simm.s32 $0x20;
	s13 =	spop (v2sf)  }
0x3c: {  	v6 =	vld [tilespmem:s3+$0x0];
	(v2sf) =	vpush v5, $0xC;
	[smem:$0xD] =	sst s13  }
0x3d: {  	s13 =	spop (v2sf)  }
0x3e: {  	(v2sf) =	vpush v5, $0xD;
	[smem:$0xE] =	sst s13  }
0x3f: {  	s30 =	simm.s32 $0xC0;
	s13 =	spop (v2sf)  }
.LBB2_2:
0x40: {  	p0 =	sne.s32 s30, $0x7C0;
	[smem:s0+$0xF] =	sst s13;
	s13 =	smov.u32 s30  }
0x41: {  	(v2sf) =	vpush v5, $0xE;
	s30 =	sadd.s32 $0x40, s30;
	s0 =	smov.u32 s29;
	s29 =	smov.u32 s3  }
0x42: {  	s3 =	spop (v2sf);
	(v2sf) =	vpush v5, $0xF  }
0x43: {  	[smem:s0] =	sst s3;
	s3 =	spop (v2sf)  }
0x44: {  	(v2sf) =	vpush v6, $0x0;
	[smem:s0+$0x1] =	sst s3;
	s3 =	spop (v2sf);
	v5 =	vmov v6  }
0x45: {  	(v2sf) =	vpush v5, $0x1;
	[smem:s0+$0x2] =	sst s3;
	s3 =	spop (v2sf)  }
0x46: {  	(v2sf) =	vpush v5, $0x2;
	[smem:s0+$0x3] =	sst s3;
	s3 =	spop (v2sf)  }
0x47: {  	(v2sf) =	vpush v5, $0x3;
	[smem:s0+$0x4] =	sst s3;
	s3 =	spop (v2sf)  }
0x48: {  	(v2sf) =	vpush v5, $0x4;
	[smem:s0+$0x5] =	sst s3;
	s3 =	spop (v2sf)  }
0x49: {  	(v2sf) =	vpush v5, $0x5;
	[smem:s0+$0x6] =	sst s3;
	s3 =	spop (v2sf)  }
0x4a: {  	(v2sf) =	vpush v5, $0x6;
	[smem:s0+$0x7] =	sst s3;
	s3 =	spop (v2sf)  }
0x4b: {  	(v2sf) =	vpush v5, $0x7;
	[smem:s0+$0x8] =	sst s3;
	s3 =	spop (v2sf)  }
0x4c: {  	(v2sf) =	vpush v5, $0x8;
	[smem:s0+$0x9] =	sst s3;
	s3 =	spop (v2sf)  }
0x4d: {  	[smem:s0+$0xA] =	sst s3  }
.Ltmp0:
0x4e: {  	(v2sf) =	vpush v5, $0x9;
	s3 =	spop (v2sf);
	(pc) =	sbr.rel @p0 .LBB2_2-.Ltmp0, $4  }
0x4f: {  	(v2sf) =	vpush v5, $0xA;
	[smem:s0+$0xB] =	sst s3;
	s14 =	spop (v2sf)  }
0x50: {  	s3 =	sshra.s32 s13, $0x2;
	(v2sf) =	vpush v5, $0xB;
	[smem:s0+$0xC] =	sst s14;
	s13 =	spop (v2sf)  }
0x51: {  	v6 =	vld [tilespmem:s3+$0x0];
	(v2sf) =	vpush v5, $0xC;
	[smem:s0+$0xD] =	sst s13;
	s13 =	spop (v2sf)  }
0x52: {  	(v2sf) =	vpush v5, $0xD;
	[smem:s0+$0xE] =	sst s13;
	s13 =	spop (v2sf)  }
0x53: {  	_ = 	snop  }
0x54: {  	(v2sf) =	vpush v5, $0xE  }
0x55: {  	[smem:s0+$0xF] =	sst s13;
	s18 =	spop (v2sf);
	(v2sf) =	vpush v5, $0xF  }
0x56: {  	[smem:s29] =	sst s18;
	s19 =	spop (v2sf);
	(v2sf) =	vpush v6, $0x0  }
0x57: {  	[smem:s29+$0x1] =	sst s19;
	s31 =	spop (v2sf);
	(v2sf) =	vpush v6, $0x1  }
0x58: {  	[smem:s29+$0x2] =	sst s31;
	s13 =	spop (v2sf);
	(v2sf) =	vpush v6, $0x2  }
0x59: {  	[smem:s29+$0x3] =	sst s13;
	s14 =	spop (v2sf);
	(v2sf) =	vpush v6, $0x3  }
0x5a: {  	[smem:s29+$0x4] =	sst s14;
	s15 =	spop (v2sf);
	(v2sf) =	vpush v6, $0x4  }
0x5b: {  	[smem:s29+$0x5] =	sst s15;
	s16 =	spop (v2sf);
	(v2sf) =	vpush v6, $0x5  }
0x5c: {  	[smem:s29+$0x6] =	sst s16;
	s17 =	spop (v2sf);
	(v2sf) =	vpush v6, $0x6  }
0x5d: {  	[smem:s29+$0x7] =	sst s17;
	s18 =	spop (v2sf);
	(v2sf) =	vpush v6, $0x7  }
0x5e: {  	[smem:s29+$0x8] =	sst s18;
	s19 =	spop (v2sf);
	(v2sf) =	vpush v6, $0x8  }
0x5f: {  	[smem:s29+$0x9] =	sst s19;
	s31 =	spop (v2sf);
	(v2sf) =	vpush v6, $0x9  }
0x60: {  	[smem:s29+$0xA] =	sst s31;
	s13 =	spop (v2sf);
	(v2sf) =	vpush v6, $0xA  }
0x61: {  	[smem:s29+$0xB] =	sst s13;
	s14 =	spop (v2sf)  }
0x62: {  	(v2sf) =	vpush v6, $0xB;
	[smem:s29+$0xC] =	sst s14;
	s15 =	spop (v2sf)  }
0x63: {  	(v2sf) =	vpush v6, $0xC;
	[smem:s29+$0xD] =	sst s15;
	s16 =	spop (v2sf)  }
0x64: {  	(v2sf) =	vpush v6, $0xD;
	[smem:s29+$0xE] =	sst s16;
	s17 =	spop (v2sf)  }
0x65: {  	(v2sf) =	vpush v6, $0xE;
	[smem:s29+$0xF] =	sst s17;
	s18 =	spop (v2sf)  }
0x66: {  	(v2sf) =	vpush v6, $0xF;
	[smem:s3] =	sst s18;
	s19 =	spop (v2sf)  }
0x67: {  	[smem:s3+$0x1] =	sst s19;
	s31 =	spop (v2sf)  }
0x68: {  	[smem:s3+$0x2] =	sst s31;
	s13 =	spop (v2sf)  }
0x69: {  	[smem:s3+$0x3] =	sst s13;
	s14 =	spop (v2sf)  }
0x6a: {  	[smem:s3+$0x4] =	sst s14;
	s15 =	spop (v2sf)  }
0x6b: {  	[smem:s3+$0x5] =	sst s15;
	s16 =	spop (v2sf)  }
0x6c: {  	[smem:s3+$0x6] =	sst s16;
	s17 =	spop (v2sf)  }
0x6d: {  	[smem:s3+$0x7] =	sst s17;
	s18 =	spop (v2sf)  }
0x6e: {  	[smem:s3+$0x8] =	sst s18;
	s19 =	spop (v2sf)  }
0x6f: {  	s18 =	simm.s32 $0x0;
	[smem:s3+$0x9] =	sst s19;
	s31 =	spop (v2sf)  }
0x70: {  	[tilespmem:s18], [sflag:$0x8] =	stream.linear.gather [hbm4b:s6+s18], $0x200, $0x38;
	[tilespmem:$0x1C400] =	vst v63  }
0x71: {  	[smem:s3+$0xA] =	sst s31;
	s13 =	spop (v2sf)  }
0x72: {  	[smem:s3+$0xB] =	sst s13;
	s14 =	spop (v2sf)  }
0x73: {  	[smem:s3+$0xC] =	sst s14;
	s15 =	spop (v2sf)  }
0x74: {  	[smem:s3+$0xD] =	sst s15;
	s16 =	spop (v2sf)  }
0x75: {  	[smem:s3+$0xE] =	sst s16;
	s17 =	spop (v2sf)  }
0x76: {  	[smem:s3+$0xF] =	sst s17  }
0x77: {  	_ =	swait.ge [sflag:s9], $0x200  }
0x78: {  	[sflag:s9] =	ssyncset.done $0x0  }
0x79: {  	s0 =	simm.s32 $0x0;
	[sflag:s9] =	ssyncadd.s32 $0xFFFFFE00  }
0x7a: {  	v6 =	vld [tilespmem:s0+$0x0];
	_ =	sdelay $0x4  }
0x7b: {  	(v2sf) =	vpush v6, $0x0;
	_ =	sdelay $0x1  }
0x7c: {  	(v2sf) =	vpush v6, $0x1  }
0x7d: {  	(v2sf) =	vpush v6, $0x2  }
0x7e: {  	(v2sf) =	vpush v6, $0x3  }
0x7f: {  	(v2sf) =	vpush v6, $0x4  }
0x80: {  	(v2sf) =	vpush v6, $0x5  }
0x81: {  	(v2sf) =	vpush v6, $0x6  }
0x82: {  	(v2sf) =	vpush v6, $0x7  }
0x83: {  	(v2sf) =	vpush v6, $0x8  }
0x84: {  	(v2sf) =	vpush v6, $0x9  }
0x85: {  	(v2sf) =	vpush v6, $0xA  }
0x86: {  	s29 =	simm.s32 $0x10;
	(v2sf) =	vpush v6, $0xB  }
0x87: {  	v5 =	vld [tilespmem:s29+$0x0];
	(v2sf) =	vpush v6, $0xC  }
0x88: {  	(v2sf) =	vpush v6, $0xD  }
0x89: {  	(v2sf) =	vpush v6, $0xE;
	s19 =	spop (v2sf)  }
0x8a: {  	(v2sf) =	vpush v6, $0xF;
	[smem:$0x200] =	sst s19  }
0x8b: {  	s3 =	spop (v2sf)  }
0x8c: {  	(v2sf) =	vpush v5, $0x0;
	[smem:$0x201] =	sst s3  }
0x8d: {  	s3 =	spop (v2sf)  }
0x8e: {  	(v2sf) =	vpush v5, $0x1;
	[smem:$0x202] =	sst s3  }
0x8f: {  	s3 =	spop (v2sf)  }
0x90: {  	(v2sf) =	vpush v5, $0x2;
	[smem:$0x203] =	sst s3  }
0x91: {  	s3 =	spop (v2sf)  }
0x92: {  	(v2sf) =	vpush v5, $0x3;
	[smem:$0x204] =	sst s3  }
0x93: {  	s3 =	spop (v2sf)  }
0x94: {  	(v2sf) =	vpush v5, $0x4;
	[smem:$0x205] =	sst s3  }
0x95: {  	s3 =	spop (v2sf)  }
0x96: {  	(v2sf) =	vpush v5, $0x5;
	[smem:$0x206] =	sst s3  }
0x97: {  	s3 =	spop (v2sf)  }
0x98: {  	(v2sf) =	vpush v5, $0x6;
	[smem:$0x207] =	sst s3  }
0x99: {  	s3 =	spop (v2sf)  }
0x9a: {  	(v2sf) =	vpush v5, $0x7;
	[smem:$0x208] =	sst s3  }
0x9b: {  	s3 =	spop (v2sf)  }
0x9c: {  	(v2sf) =	vpush v5, $0x8;
	[smem:$0x209] =	sst s3  }
0x9d: {  	s3 =	spop (v2sf)  }
0x9e: {  	(v2sf) =	vpush v5, $0x9;
	[smem:$0x20A] =	sst s3  }
0x9f: {  	s3 =	spop (v2sf)  }
0xa0: {  	(v2sf) =	vpush v5, $0xA;
	[smem:$0x20B] =	sst s3  }
0xa1: {  	s31 =	spop (v2sf)  }
0xa2: {  	(v2sf) =	vpush v5, $0xB;
	[smem:$0x20C] =	sst s31  }
0xa3: {  	s3 =	simm.s32 $0x20;
	s13 =	spop (v2sf)  }
0xa4: {  	v6 =	vld [tilespmem:s3+$0x0];
	(v2sf) =	vpush v5, $0xC;
	[smem:$0x20D] =	sst s13  }
0xa5: {  	s13 =	spop (v2sf)  }
0xa6: {  	(v2sf) =	vpush v5, $0xD;
	[smem:$0x20E] =	sst s13  }
0xa7: {  	s30 =	simm.s32 $0xC0;
	s13 =	spop (v2sf)  }
.LBB2_4:
0xa8: {  	p0 =	sne.s32 s30, $0x7C0;
	[smem:s0+$0x20F] =	sst s13;
	s13 =	smov.u32 s30  }
0xa9: {  	(v2sf) =	vpush v5, $0xE;
	s30 =	sadd.s32 $0x40, s30;
	s0 =	smov.u32 s29;
	s29 =	smov.u32 s3  }
0xaa: {  	s3 =	spop (v2sf);
	(v2sf) =	vpush v5, $0xF  }
0xab: {  	[smem:s0+$0x200] =	sst s3;
	s3 =	spop (v2sf)  }
0xac: {  	(v2sf) =	vpush v6, $0x0;
	[smem:s0+$0x201] =	sst s3;
	s3 =	spop (v2sf);
	v5 =	vmov v6  }
0xad: {  	(v2sf) =	vpush v5, $0x1;
	[smem:s0+$0x202] =	sst s3;
	s3 =	spop (v2sf)  }
0xae: {  	(v2sf) =	vpush v5, $0x2;
	[smem:s0+$0x203] =	sst s3;
	s3 =	spop (v2sf)  }
0xaf: {  	(v2sf) =	vpush v5, $0x3;
	[smem:s0+$0x204] =	sst s3;
	s3 =	spop (v2sf)  }
0xb0: {  	(v2sf) =	vpush v5, $0x4;
	[smem:s0+$0x205] =	sst s3;
	s3 =	spop (v2sf)  }
0xb1: {  	(v2sf) =	vpush v5, $0x5;
	[smem:s0+$0x206] =	sst s3;
	s3 =	spop (v2sf)  }
0xb2: {  	(v2sf) =	vpush v5, $0x6;
	[smem:s0+$0x207] =	sst s3;
	s3 =	spop (v2sf)  }
0xb3: {  	(v2sf) =	vpush v5, $0x7;
	[smem:s0+$0x208] =	sst s3;
	s3 =	spop (v2sf)  }
0xb4: {  	(v2sf) =	vpush v5, $0x8;
	[smem:s0+$0x209] =	sst s3;
	s3 =	spop (v2sf)  }
0xb5: {  	[smem:s0+$0x20A] =	sst s3  }
.Ltmp1:
0xb6: {  	(v2sf) =	vpush v5, $0x9;
	s3 =	spop (v2sf);
	(pc) =	sbr.rel @p0 .LBB2_4-.Ltmp1, $4  }
0xb7: {  	(v2sf) =	vpush v5, $0xA;
	[smem:s0+$0x20B] =	sst s3;
	s14 =	spop (v2sf)  }
0xb8: {  	s3 =	sshra.s32 s13, $0x2;
	(v2sf) =	vpush v5, $0xB;
	[smem:s0+$0x20C] =	sst s14;
	s13 =	spop (v2sf)  }
0xb9: {  	v6 =	vld [tilespmem:s3+$0x0];
	(v2sf) =	vpush v5, $0xC;
	[smem:s0+$0x20D] =	sst s13;
	s13 =	spop (v2sf)  }
0xba: {  	(v2sf) =	vpush v5, $0xD;
	[smem:s0+$0x20E] =	sst s13;
	s13 =	spop (v2sf)  }
0xbb: {  	_ = 	snop  }
0xbc: {  	(v2sf) =	vpush v5, $0xE  }
0xbd: {  	[smem:s0+$0x20F] =	sst s13;
	s16 =	spop (v2sf);
	(v2sf) =	vpush v5, $0xF  }
0xbe: {  	[smem:s29+$0x200] =	sst s16;
	s17 =	spop (v2sf);
	(v2sf) =	vpush v6, $0x0  }
0xbf: {  	[smem:s29+$0x201] =	sst s17;
	s18 =	spop (v2sf);
	(v2sf) =	vpush v6, $0x1  }
0xc0: {  	[smem:s29+$0x202] =	sst s18;
	s19 =	spop (v2sf);
	(v2sf) =	vpush v6, $0x2  }
0xc1: {  	[smem:s29+$0x203] =	sst s19;
	s13 =	spop (v2sf);
	(v2sf) =	vpush v6, $0x3  }
0xc2: {  	[smem:s29+$0x204] =	sst s13;
	s14 =	spop (v2sf);
	(v2sf) =	vpush v6, $0x4  }
0xc3: {  	[smem:s29+$0x205] =	sst s14;
	s15 =	spop (v2sf);
	(v2sf) =	vpush v6, $0x5  }
0xc4: {  	[smem:s29+$0x206] =	sst s15;
	s16 =	spop (v2sf);
	(v2sf) =	vpush v6, $0x6  }
0xc5: {  	[smem:s29+$0x207] =	sst s16;
	s17 =	spop (v2sf);
	(v2sf) =	vpush v6, $0x7  }
0xc6: {  	[smem:s29+$0x208] =	sst s17;
	s18 =	spop (v2sf);
	(v2sf) =	vpush v6, $0x8  }
0xc7: {  	[smem:s29+$0x209] =	sst s18;
	s19 =	spop (v2sf);
	(v2sf) =	vpush v6, $0x9  }
0xc8: {  	[smem:s29+$0x20A] =	sst s19;
	s13 =	spop (v2sf);
	(v2sf) =	vpush v6, $0xA  }
0xc9: {  	[smem:s29+$0x20B] =	sst s13;
	s14 =	spop (v2sf);
	(v2sf) =	vpush v6, $0xB  }
0xca: {  	[smem:s29+$0x20C] =	sst s14;
	s15 =	spop (v2sf);
	(v2sf) =	vpush v6, $0xC  }
0xcb: {  	[smem:s29+$0x20D] =	sst s15;
	s16 =	spop (v2sf);
	(v2sf) =	vpush v6, $0xD  }
0xcc: {  	[smem:s29+$0x20E] =	sst s16;
	s17 =	spop (v2sf);
	(v2sf) =	vpush v6, $0xE  }
0xcd: {  	[smem:s29+$0x20F] =	sst s17;
	s18 =	spop (v2sf);
	(v2sf) =	vpush v6, $0xF  }
0xce: {  	[smem:s3+$0x200] =	sst s18;
	s19 =	spop (v2sf)  }
0xcf: {  	[smem:s3+$0x201] =	sst s19;
	s13 =	spop (v2sf)  }
0xd0: {  	[smem:s3+$0x202] =	sst s13;
	s14 =	spop (v2sf)  }
0xd1: {  	[smem:s3+$0x203] =	sst s14;
	s15 =	spop (v2sf)  }
0xd2: {  	[smem:s3+$0x204] =	sst s15;
	s16 =	spop (v2sf)  }
0xd3: {  	[smem:s3+$0x205] =	sst s16;
	s17 =	spop (v2sf)  }
0xd4: {  	[smem:s3+$0x206] =	sst s17;
	s18 =	spop (v2sf)  }
0xd5: {  	[smem:s3+$0x207] =	sst s18;
	s19 =	spop (v2sf)  }
0xd6: {  	[smem:s3+$0x208] =	sst s19;
	s13 =	spop (v2sf)  }
0xd7: {  	[smem:s3+$0x209] =	sst s13;
	s14 =	spop (v2sf)  }
0xd8: {  	[smem:s3+$0x20A] =	sst s14;
	s15 =	spop (v2sf)  }
0xd9: {  	[smem:s3+$0x20B] =	sst s15;
	s16 =	spop (v2sf)  }
0xda: {  	[smem:s3+$0x20C] =	sst s16;
	s17 =	spop (v2sf)  }
0xdb: {  	[smem:s3+$0x20D] =	sst s17;
	s18 =	spop (v2sf)  }
0xdc: {  	[smem:s3+$0x20E] =	sst s18;
	s19 =	spop (v2sf)  }
0xdd: {  	[smem:s3+$0x20F] =	sst s19  }
0xde: {  	s0 =	sld [smem:$0x0]  }
0xdf: {  	s3 =	sld [smem:$0x200]  }
0xe0: {  	s31 =	simm.s32 $0x0;
	s29 =	simm.s32 $0x200;
	s16 =	simm.s32 $0x2200  }
0xe1: {  	s19 =	simm.s32 $0x10200;
	s13 =	sld [smem:$0x1];
	s0 =	sand.u32 $0xFFFFF80, s0  }
0xe2: {  	s15 =	sld [smem:$0x201];
	s3 =	sand.u32 $0xFFFFF80, s3;
	s0 =	sadd.s32 s1, s0  }
0xe3: {  	[tilespmem:s29], [sflag:$0x1] =	stream.strided.gather [hbm4b:s0+s10], $0x2000, s11, s10, $0x38;
	[tilespmem:$0x1C400] =	vst v63  }
0xe4: {  	s18 =	sld [smem:$0x2];
	s14 =	sand.u32 $0xFFFFF80, s13;
	s0 =	sadd.s32 s2, s3  }
0xe5: {  	[tilespmem:s12], [sflag:$0x1] =	stream.strided.gather [hbm4b:s0+s10], $0x2000, s11, s10, $0x38;
	[tilespmem:$0x1C400] =	vst v63  }
0xe6: {  	s17 =	sand.u32 $0xFFFFF80, s15;
	s15 =	sld [smem:$0x202];
	s0 =	sadd.s32 s1, s14  }
0xe7: {  	[tilespmem:s16], [sflag:$0x2] =	stream.strided.gather [hbm4b:s0+s10], $0x2000, s11, s10, $0x38;
	[tilespmem:$0x1C400] =	vst v63  }
0xe8: {  	s14 =	sand.u32 $0xFFFFF80, s18;
	s18 =	sld [smem:$0x3];
	s0 =	sadd.s32 s2, s17  }
0xe9: {  	s16 =	simm.s32 $0x4200;
	s17 =	sand.u32 $0xFFFFF80, s15;
	s15 =	sld [smem:$0x203]  }
0xea: {  	[tilespmem:s19], [sflag:$0x2] =	stream.strided.gather [hbm4b:s0+s10], $0x2000, s11, s10, $0x38;
	[tilespmem:$0x1C400] =	vst v63  }
0xeb: {  	s0 =	sadd.s32 s1, s14;
	s19 =	simm.s32 $0x12200;
	s14 =	sand.u32 $0xFFFFF80, s18  }
0xec: {  	[tilespmem:s16], [sflag:$0x3] =	stream.strided.gather [hbm4b:s0+s10], $0x2000, s11, s10, $0x38;
	[tilespmem:$0x1C400] =	vst v63  }
0xed: {  	s18 =	sld [smem:$0x4];
	s0 =	sadd.s32 s2, s17;
	s16 =	simm.s32 $0x6200  }
0xee: {  	[tilespmem:s19], [sflag:$0x3] =	stream.strided.gather [hbm4b:s0+s10], $0x2000, s11, s10, $0x38;
	[tilespmem:$0x1C400] =	vst v63  }
0xef: {  	s17 =	sand.u32 $0xFFFFF80, s15;
	s0 =	sadd.s32 s1, s14;
	s14 =	sld [smem:$0x204]  }
0xf0: {  	[tilespmem:s16], [sflag:$0x4] =	stream.strided.gather [hbm4b:s0+s10], $0x2000, s11, s10, $0x38;
	[tilespmem:$0x1C400] =	vst v63  }
0xf1: {  	s19 =	simm.s32 $0x14200;
	s0 =	sadd.s32 s2, s17;
	s17 =	sld [smem:$0x5]  }
0xf2: {  	[tilespmem:s19], [sflag:$0x4] =	stream.strided.gather [hbm4b:s0+s10], $0x2000, s11, s10, $0x38;
	[tilespmem:$0x1C400] =	vst v63  }
0xf3: {  	s15 =	simm.s32 $0x8200;
	s13 =	sand.u32 $0xFFFFF80, s18;
	s19 =	sld [smem:$0x205]  }
0xf4: {  	s16 =	sand.u32 $0xFFFFF80, s14;
	s0 =	sadd.s32 s1, s13;
	s13 =	sld [smem:$0x6]  }
0xf5: {  	[tilespmem:s15], [sflag:$0x5] =	stream.strided.gather [hbm4b:s0+s10], $0x2000, s11, s10, $0x38;
	[tilespmem:$0x1C400] =	vst v63  }
0xf6: {  	s18 =	sand.u32 $0xFFFFF80, s17;
	s0 =	sadd.s32 s2, s16;
	s15 =	smul.u32 $0x2493, s31  }
0xf7: {  	[tilespmem:s20], [sflag:$0x5] =	stream.strided.gather [hbm4b:s0+s10], $0x2000, s11, s10, $0x38;
	[tilespmem:$0x1C400] =	vst v63  }
0xf8: {  	s3 =	sand.u32 $0xFFFFF80, s19;
	s0 =	sadd.s32 s1, s18;
	s16 =	sshrl.u32 s15, $0x10  }
0xf9: {  	[tilespmem:s21], [sflag:$0x6] =	stream.strided.gather [hbm4b:s0+s10], $0x2000, s11, s10, $0x38;
	[tilespmem:$0x1C400] =	vst v63  }
0xfa: {  	s0 =	sadd.s32 s2, s3;
	s3 =	ssub.s32 $0x0, s16  }
0xfb: {  	s14 =	sand.u32 $0xFFFFF80, s13;
	s3 =	sand.u32 $0xFFFE, s3  }
0xfc: {  	[tilespmem:s22], [sflag:$0x6] =	stream.strided.gather [hbm4b:s0+s10], $0x2000, s11, s10, $0x38;
	[tilespmem:$0x1C400] =	vst v63  }
0xfd: {  	s17 =	sld [smem:$0x206];
	s0 =	sadd.s32 s1, s14;
	s3 =	sshrl.u32 s3, $0x1  }
0xfe: {  	[tilespmem:s23], [sflag:$0x7] =	stream.strided.gather [hbm4b:s0+s10], $0x2000, s11, s10, $0x38;
	[tilespmem:$0x1C400] =	vst v63  }
0xff: {  	s0 =	sadd.s32 s16, s3  }
0x100: {  	s0 =	sand.u32 $0xFFFC, s0  }
0x101: {  	s18 =	sand.u32 $0xFFFFF80, s17;
	s0 =	sshrl.u32 s0, $0x2  }
0x102: {  	s3 =	sadd.s32 s2, s18;
	s0 =	smul.u32 $0x7, s0  }
0x103: {  	[tilespmem:s24], [sflag:$0x7] =	stream.strided.gather [hbm4b:s3+s10], $0x2000, s11, s10, $0x38;
	[tilespmem:$0x1C400] =	vst v63  }
0x104: {  	s0 =	ssub.s32 $0x0, s0  }
0x105: {  	s0 =	sand.u32 $0xFFFF, s0  }
0x106: {  	s19 =	sadd.s32 $0x1, s0  }
0x107: {  	_ =	swait.ge [sflag:s19], $0x2000  }
0x108: {  	[sflag:s19] =	ssyncset.done $0x0  }
0x109: {  	[sflag:s19] =	ssyncadd.s32 $0xFFFFE000  }
0x10a: {  	_ =	swait.ge [sflag:s19], $0x2000  }
0x10b: {  	[sflag:s19] =	ssyncset.done $0x0  }
0x10c: {  	[sflag:s19] =	ssyncadd.s32 $0xFFFFE000  }
0x10d: {  	s15 =	sld [smem:$0x7]  }
0x10e: {  	s14 =	sld [smem:$0x0]  }
0x10f: {  	s30 =	sld [smem:$0x200]  }
0x110: {  	s0 =	sshll.u32 s0, $0xD  }
0x111: {  	v5 =	vor.u32 s0, v1;
	s13 =	sand.u32 $0xFFFFF80, s15;
	s15 =	sld [smem:$0x207];
	s14 =	sand.u32 $0x7F, s14  }
0x112: {  	s16 =	sor.u32 $0x200, s0;
	s13 =	sadd.s32 s1, s13;
	s30 =	sand.u32 $0x7F, s30;
	v6 =	vor.u32 s14, v5  }
0x113: {  	v7 =	vor.u32 s0, v2;
	[tilespmem:s16], [sflag:s19] =	stream.strided.gather [hbm4b:s13+s10], $0x2000, s11, s10, $0x38;
	v5 =	vor.u32 s30, v5;
	[tilespmem:$0x1C400] =	vst v63  }
0x114: {  	v8 =	vor.u32 s30, v7;
	s16 =	sand.u32 $0xFFFFF80, s15  }
0x115: {  	v9 =	vor.u32 s0, v3;
	s17 =	sadd.s32 $0xE200, s0;
	v7 =	vor.u32 s14, v7;
	s13 =	sadd.s32 s2, s16  }
0x116: {  	v10 =	vor.u32 s30, v9;
	[tilespmem:s17], [sflag:s19] =	stream.strided.gather [hbm4b:s13+s10], $0x2000, s11, s10, $0x38;
	[tilespmem:$0x1C400] =	vst v63  }
0x117: {  	v11 =	vor.u32 s0, v4;
	v9 =	vor.u32 s14, v9;
	v6 =	vld.idx.msk [tilespmem:v6+s25+$0x0], $0xffff  }
0x118: {  	v12 =	vor.u32 s30, v11;
	v5 =	vld.idx.msk [tilespmem:v5+s12+$0x0], $0xffff  }
0x119: {  	v11 =	vor.u32 s14, v11;
	v8 =	vld.idx.msk [tilespmem:v8+s12+$0x0], $0xffff  }
0x11a: {  	v7 =	vld.idx.msk [tilespmem:v7+s25+$0x0], $0xffff  }
0x11b: {  	v10 =	vld.idx.msk [tilespmem:v10+s12+$0x0], $0xffff  }
0x11c: {  	v9 =	vld.idx.msk [tilespmem:v9+s25+$0x0], $0xffff  }
0x11d: {  	v12 =	vld.idx.msk [tilespmem:v12+s12+$0x0], $0xffff;
	v5 =	vmul.f32 v5, v6  }
0x11e: {  	v6 =	vld.idx.msk [tilespmem:v11+s25+$0x0], $0xffff  }
0x11f: {  	v7 =	vmul.f32 v8, v7;
	v5 =	vadd.f32 $0.0e+00, v5;
	_ =	sdelay $0x1  }
0x120: {  	v5 =	vadd.f32 v7, v5;
	v7 =	vmul.f32 v10, v9;
	_ =	sdelay $0x1  }
0x121: {  	v6 =	vmul.f32 v12, v6;
	v5 =	vadd.f32 v7, v5;
	_ =	sdelay $0x1  }
0x122: {  	v5 =	vadd.f32 v6, v5  }
0x123: {  	s30 =	simm.s32 $0x1  }
0x124: {  	s18 =	smul.u32 $0x2493, s30;
	(xrf2) =	vadd.scan.msk.f32 $0xffff, v5;
	_ =	sdelay $0x1  }
0x125: {  	s0 =	sshrl.u32 s18, $0x10  }
0x126: {  	s19 =	ssub.s32 $0x1, s0  }
0x127: {  	s3 =	sand.u32 $0xFFFE, s19  }
0x128: {  	s3 =	sshrl.u32 s3, $0x1  }
0x129: {  	s0 =	sadd.s32 s0, s3  }
0x12a: {  	s0 =	sand.u32 $0xFFFC, s0  }
0x12b: {  	s0 =	sshrl.u32 s0, $0x2  }
0x12c: {  	s14 =	smul.u32 $0x7, s0  }
0x12d: {  	s13 =	sand.u32 $0xF, s31;
	s3 =	simm.s32 $0x2;
	s0 =	simm.s32 $0x1;
	v5 =	vimm.f32 $0.0e+00;
	v6, _, _ =	vpop (xrf2)  }
.LBB2_6:
0x12e: {  	s14 =	ssub.s32 s30, s14  }
0x12f: {  	v7 =	vmov s13;
	v6 =	vbroadcast v6, $0xF;
	s29 =	sadd.s32 $0x1, s29;
	s15 =	smov.u32 s3;
	s3 =	sadd.s32 $0x1, s3  }
0x130: {  	p1 =	sne.s32 s13, $0xF;
	p0 =	sne.s32 s3, $0x1F9;
	s14 =	sand.u32 $0xFFFF, s14;
	vm0 =	veq.s32 v7, v0  }
0x131: {  	s16 =	sand.u32 @!p1 $0x1F0, s31;
	s13 =	sadd.s32 $0x1, s14;
	s14 =	sshll.u32 s14, $0xD;
	v5 =	vsel vm0, v6, v5  }
0x132: {  	s31 =	smov.u32 s30;
	s30 =	smov.u32 s15;
	[tilespmem:s16+$0x1C200] =	vst @!p1 v5  }
0x133: {  	_ =	swait.ge [sflag:s13], $0x2000  }
0x134: {  	[sflag:s13] =	ssyncset.done $0x0  }
0x135: {  	[sflag:s13] =	ssyncadd.s32 $0xFFFFE000  }
0x136: {  	_ =	swait.ge [sflag:s13], $0x2000  }
0x137: {  	[sflag:s13] =	ssyncset.done $0x0  }
0x138: {  	[sflag:s13] =	ssyncadd.s32 $0xFFFFE000  }
0x139: {  	s15 =	sld [smem:s0+$0x7]  }
0x13a: {  	s16 =	sld [smem:s0+$0x0]  }
0x13b: {  	s17 =	sld [smem:s29+$0x0]  }
0x13c: {  	v6 =	vor.u32 s14, v4;
	s15 =	sand.u32 $0xFFFFF80, s15;
	s18 =	sld [smem:s29+$0x7]  }
0x13d: {  	v7 =	vor.u32 s14, v1;
	v8 =	vor.u32 s14, v2;
	v9 =	vor.u32 s14, v3;
	s16 =	sand.u32 $0x7F, s16  }
0x13e: {  	s19 =	sor.u32 $0x200, s14;
	s15 =	sadd.s32 s1, s15;
	s17 =	sand.u32 $0x7F, s17;
	v10 =	vor.u32 s16, v7;
	v11 =	vor.u32 s16, v8;
	v12 =	vor.u32 s16, v9  }
0x13f: {  	[tilespmem:s19], [sflag:s13] =	stream.strided.gather [hbm4b:s15+s10], $0x2000, s11, s10, $0x38;
	v7 =	vor.u32 s17, v7;
	v8 =	vor.u32 s17, v8;
	v9 =	vor.u32 s17, v9;
	[tilespmem:$0x1C400] =	vst v63  }
0x140: {  	v13 =	vor.u32 s16, v6;
	s15 =	sand.u32 $0xFFFFF80, s18;
	v6 =	vor.u32 s17, v6  }
0x141: {  	s14 =	sadd.s32 $0xE200, s14;
	s15 =	sadd.s32 s2, s15  }
0x142: {  	[tilespmem:s14], [sflag:s13] =	stream.strided.gather [hbm4b:s15+s10], $0x2000, s11, s10, $0x38;
	[tilespmem:$0x1C400] =	vst v63  }
0x143: {  	v10 =	vld.idx.msk [tilespmem:v10+s25+$0x0], $0xffff  }
0x144: {  	v7 =	vld.idx.msk [tilespmem:v7+s12+$0x0], $0xffff  }
0x145: {  	v8 =	vld.idx.msk [tilespmem:v8+s12+$0x0], $0xffff  }
0x146: {  	v11 =	vld.idx.msk [tilespmem:v11+s25+$0x0], $0xffff  }
0x147: {  	v9 =	vld.idx.msk [tilespmem:v9+s12+$0x0], $0xffff  }
0x148: {  	v12 =	vld.idx.msk [tilespmem:v12+s25+$0x0], $0xffff  }
0x149: {  	v6 =	vld.idx.msk [tilespmem:v6+s12+$0x0], $0xffff  }
0x14a: {  	v7 =	vmul.f32 v7, v10;
	v10 =	vld.idx.msk [tilespmem:v13+s25+$0x0], $0xffff;
	_ =	sdelay $0x1  }
0x14b: {  	v7 =	vadd.f32 $0.0e+00, v7;
	v8 =	vmul.f32 v8, v11;
	_ =	sdelay $0x1  }
0x14c: {  	v7 =	vadd.f32 v8, v7;
	v8 =	vmul.f32 v9, v12;
	_ =	sdelay $0x1  }
0x14d: {  	v7 =	vadd.f32 v8, v7;
	v6 =	vmul.f32 v6, v10;
	_ =	sdelay $0x1  }
0x14e: {  	v6 =	vadd.f32 v6, v7;
	_ =	sdelay $0x1  }
0x14f: {  	s13 =	smul.u32 $0x2493, s30;
	(xrf2) =	vadd.scan.msk.f32 $0xffff, v6;
	_ =	sdelay $0x1  }
0x150: {  	s13 =	sshrl.u32 s13, $0x10  }
0x151: {  	s14 =	ssub.s32 s30, s13  }
0x152: {  	s14 =	sand.u32 $0xFFFE, s14  }
0x153: {  	s14 =	sshrl.u32 s14, $0x1  }
.Ltmp2:
0x154: {  	s13 =	sadd.s32 s13, s14;
	(pc) =	sbr.rel @p0 .LBB2_6-.Ltmp2, $4  }
0x155: {  	s13 =	sand.u32 $0xFFFC, s13  }
0x156: {  	s13 =	sshrl.u32 s13, $0x2  }
0x157: {  	s14 =	smul.u32 $0x7, s13  }
0x158: {  	s0 =	sadd.s32 $0x1, s0;
	s13 =	sand.u32 $0xF, s31;
	v6, _, _ =	vpop (xrf2)  }
0x159: {  	v7 =	vmov s13;
	v6 =	vbroadcast v6, $0xF  }
0x15a: {  	s3 =	ssub.s32 s30, s14;
	p0 =	sne.s32 s13, $0xF;
	vm0 =	veq.s32 v7, v0  }
0x15b: {  	s3 =	sand.u32 $0xFFFF, s3;
	s13 =	sand.u32 @!p0 $0x1F0, s31;
	v5 =	vsel vm0, v6, v5  }
0x15c: {  	s14 =	sadd.s32 $0x1, s3;
	[tilespmem:s13+$0x1C200] =	vst @!p0 v5  }
0x15d: {  	_ =	swait.ge [sflag:s14], $0x2000  }
0x15e: {  	[sflag:s14] =	ssyncset.done $0x0  }
0x15f: {  	[sflag:s14] =	ssyncadd.s32 $0xFFFFE000  }
0x160: {  	_ =	swait.ge [sflag:s14], $0x2000  }
0x161: {  	[sflag:s14] =	ssyncset.done $0x0  }
0x162: {  	[sflag:s14] =	ssyncadd.s32 $0xFFFFE000  }
0x163: {  	s19 =	sld [smem:s0+$0x7]  }
0x164: {  	s15 =	sadd.s32 $0x1, s29;
	s17 =	sld [smem:s0+$0x0]  }
0x165: {  	s16 =	sld [smem:s15+$0x0]  }
0x166: {  	s3 =	sshll.u32 s3, $0xD;
	s15 =	sld [smem:s15+$0x7]  }
0x167: {  	v6 =	vor.u32 s3, v1;
	s0 =	sand.u32 $0x7F, s17  }
0x168: {  	s13 =	sand.u32 $0xFFFFF80, s19;
	s16 =	sand.u32 $0x7F, s16;
	v7 =	vor.u32 s0, v6  }
0x169: {  	v8 =	vor.u32 s3, v2;
	s17 =	sor.u32 $0x200, s3;
	s18 =	sand.u32 $0xFFFFF80, s15;
	s13 =	sadd.s32 s1, s13;
	v6 =	vor.u32 s16, v6  }
0x16a: {  	v9 =	vor.u32 s16, v8;
	[tilespmem:s17], [sflag:s14] =	stream.strided.gather [hbm4b:s13+s10], $0x2000, s11, s10, $0x38;
	[tilespmem:$0x1C400] =	vst v63  }
0x16b: {  	v10 =	vor.u32 s3, v3;
	s19 =	sadd.s32 $0xE200, s3;
	v8 =	vor.u32 s0, v8;
	s13 =	sadd.s32 s2, s18  }
0x16c: {  	v11 =	vor.u32 s16, v10;
	[tilespmem:s19], [sflag:s14] =	stream.strided.gather [hbm4b:s13+s10], $0x2000, s11, s10, $0x38;
	[tilespmem:$0x1C400] =	vst v63  }
0x16d: {  	v12 =	vor.u32 s3, v4;
	v10 =	vor.u32 s0, v10;
	v7 =	vld.idx.msk [tilespmem:v7+s25+$0x0], $0xffff  }
0x16e: {  	v13 =	vor.u32 s16, v12;
	v6 =	vld.idx.msk [tilespmem:v6+s12+$0x0], $0xffff  }
0x16f: {  	v12 =	vor.u32 s0, v12;
	v9 =	vld.idx.msk [tilespmem:v9+s12+$0x0], $0xffff  }
0x170: {  	v8 =	vld.idx.msk [tilespmem:v8+s25+$0x0], $0xffff  }
0x171: {  	v11 =	vld.idx.msk [tilespmem:v11+s12+$0x0], $0xffff  }
0x172: {  	v10 =	vld.idx.msk [tilespmem:v10+s25+$0x0], $0xffff  }
0x173: {  	v13 =	vld.idx.msk [tilespmem:v13+s12+$0x0], $0xffff;
	v6 =	vmul.f32 v6, v7  }
0x174: {  	v7 =	vld.idx.msk [tilespmem:v12+s25+$0x0], $0xffff  }
0x175: {  	v8 =	vmul.f32 v9, v8;
	v6 =	vadd.f32 $0.0e+00, v6;
	_ =	sdelay $0x1  }
0x176: {  	v6 =	vadd.f32 v8, v6;
	v8 =	vmul.f32 v11, v10;
	_ =	sdelay $0x1  }
0x177: {  	v7 =	vmul.f32 v13, v7;
	v6 =	vadd.f32 v8, v6;
	_ =	sdelay $0x1  }
0x178: {  	v6 =	vadd.f32 v7, v6;
	_ =	sdelay $0x1  }
0x179: {  	s29 =	simm.s32 $0x1F9;
	(xrf2) =	vadd.scan.msk.f32 $0xffff, v6  }
0x17a: {  	s3 =	smul.u32 $0x2493, s29;
	_ =	sdelay $0x1  }
0x17b: {  	s0 =	sshrl.u32 s3, $0x10  }
0x17c: {  	s13 =	ssub.s32 $0x1F9, s0  }
0x17d: {  	s3 =	sand.u32 $0xFFFE, s13  }
0x17e: {  	s3 =	sshrl.u32 s3, $0x1  }
0x17f: {  	s0 =	sadd.s32 s0, s3  }
0x180: {  	s0 =	sand.u32 $0xFFFC, s0  }
0x181: {  	s0 =	sshrl.u32 s0, $0x2  }
0x182: {  	s14 =	sand.u32 $0xF, s30;
	s0 =	smul.u32 $0x7, s0;
	v6, _, _ =	vpop (xrf2)  }
0x183: {  	v7 =	vmov s14;
	v6 =	vbroadcast v6, $0xF  }
0x184: {  	p0 =	sne.s32 s14, $0xF;
	s0 =	ssub.s32 $0x1F9, s0;
	vm0 =	veq.s32 v7, v0  }
0x185: {  	s3 =	sand.u32 @!p0 $0x1F0, s30;
	s0 =	sand.u32 $0xFFFF, s0;
	v5 =	vsel vm0, v6, v5  }
0x186: {  	s15 =	sadd.s32 $0x1, s0;
	[tilespmem:s3+$0x1C200] =	vst @!p0 v5  }
0x187: {  	_ =	swait.ge [sflag:s15], $0x2000  }
0x188: {  	[sflag:s15] =	ssyncset.done $0x0  }
0x189: {  	[sflag:s15] =	ssyncadd.s32 $0xFFFFE000  }
0x18a: {  	_ =	swait.ge [sflag:s15], $0x2000  }
0x18b: {  	[sflag:s15] =	ssyncset.done $0x0  }
0x18c: {  	[sflag:s15] =	ssyncadd.s32 $0xFFFFE000  }
0x18d: {  	s3 =	sld [smem:$0x1F9]  }
0x18e: {  	s16 =	sld [smem:$0x3F9]  }
0x18f: {  	s0 =	sshll.u32 s0, $0xD  }
0x190: {  	v6 =	vor.u32 s0, v1;
	s3 =	sand.u32 $0x7F, s3  }
0x191: {  	s13 =	sand.u32 $0x7F, s16;
	v7 =	vor.u32 s3, v6  }
0x192: {  	v8 =	vor.u32 s0, v2;
	v6 =	vor.u32 s13, v6  }
0x193: {  	v58 =	vor.u32 s13, v8  }
0x194: {  	v59 =	vor.u32 s0, v3;
	v8 =	vor.u32 s3, v8  }
0x195: {  	v10 =	vor.u32 s3, v59  }
0x196: {  	v61 =	vor.u32 s0, v4;
	v60 =	vor.u32 s13, v59;
	v7 =	vld.idx.msk [tilespmem:v7+s25+$0x0], $0xffff  }
0x197: {  	v62 =	vor.u32 s13, v61;
	v6 =	vld.idx.msk [tilespmem:v6+s12+$0x0], $0xffff  }
0x198: {  	v12 =	vor.u32 s3, v61;
	v9 =	vld.idx.msk [tilespmem:v58+s12+$0x0], $0xffff  }
0x199: {  	v8 =	vld.idx.msk [tilespmem:v8+s25+$0x0], $0xffff  }
0x19a: {  	v10 =	vld.idx.msk [tilespmem:v10+s25+$0x0], $0xffff  }
0x19b: {  	v11 =	vld.idx.msk [tilespmem:v60+s12+$0x0], $0xffff  }
0x19c: {  	v13 =	vld.idx.msk [tilespmem:v62+s12+$0x0], $0xffff;
	v6 =	vmul.f32 v6, v7  }
0x19d: {  	v7 =	vld.idx.msk [tilespmem:v12+s25+$0x0], $0xffff  }
0x19e: {  	v8 =	vmul.f32 v9, v8;
	v6 =	vadd.f32 $0.0e+00, v6;
	_ =	sdelay $0x1  }
0x19f: {  	v63 =	vmul.f32 v11, v10;
	v6 =	vadd.f32 v8, v6;
	_ =	sdelay $0x1  }
0x1a0: {  	v7 =	vmul.f32 v13, v7;
	v6 =	vadd.f32 v63, v6;
	_ =	sdelay $0x1  }
0x1a1: {  	v6 =	vadd.f32 v7, v6;
	_ =	sdelay $0x1  }
0x1a2: {  	s30 =	simm.s32 $0x1FA;
	(xrf2) =	vadd.scan.msk.f32 $0xffff, v6  }
0x1a3: {  	s17 =	smul.u32 $0x2493, s30;
	_ =	sdelay $0x1  }
0x1a4: {  	s0 =	sshrl.u32 s17, $0x10  }
0x1a5: {  	s18 =	ssub.s32 $0x1FA, s0  }
0x1a6: {  	s3 =	sand.u32 $0xFFFE, s18  }
0x1a7: {  	s3 =	sshrl.u32 s3, $0x1  }
0x1a8: {  	s0 =	sadd.s32 s0, s3  }
0x1a9: {  	s0 =	sand.u32 $0xFFFC, s0  }
0x1aa: {  	s19 =	simm.s32 $0x9;
	s0 =	sshrl.u32 s0, $0x2  }
0x1ab: {  	p1 =	por $0x1, $0x1;
	s13 =	smul.u32 $0x7, s0;
	v6 =	vmov s19;
	v7, _, _ =	vpop (xrf2)  }
0x1ac: {  	s31 =	simm.s32 $0x1FB;
	s3 =	simm.s32 $0x1FA;
	s0 =	simm.s32 $0x3FA;
	vm0 =	veq.s32 v6, v0;
	v6 =	vbroadcast v7, $0xF  }
.LBB2_8:
0x1ad: {  	s13 =	ssub.s32 s30, s13;
	s14 =	sand.u32 @!p1 $0x1F0, s29  }
0x1ae: {  	s29 =	smov.u32 s30;
	s30 =	smov.u32 s31;
	s31 =	sadd.s32 $0x1, s31  }
0x1af: {  	p0 =	sne.s32 s31, $0x200;
	s13 =	sand.u32 $0xFFFF, s13;
	v5 =	vsel vm0, v6, v5  }
0x1b0: {  	s15 =	sadd.s32 $0x1, s13;
	s13 =	sshll.u32 s13, $0xD;
	[tilespmem:s14+$0x1C200] =	vst @!p1 v5  }
0x1b1: {  	_ =	swait.ge [sflag:s15], $0x2000  }
0x1b2: {  	[sflag:s15] =	ssyncset.done $0x0  }
0x1b3: {  	[sflag:s15] =	ssyncadd.s32 $0xFFFFE000  }
0x1b4: {  	_ =	swait.ge [sflag:s15], $0x2000  }
0x1b5: {  	[sflag:s15] =	ssyncset.done $0x0  }
0x1b6: {  	[sflag:s15] =	ssyncadd.s32 $0xFFFFE000  }
0x1b7: {  	s14 =	sld [smem:s3+$0x0]  }
0x1b8: {  	s15 =	sld [smem:s0+$0x0]  }
0x1b9: {  	v6 =	vor.u32 s13, v4  }
0x1ba: {  	v7 =	vor.u32 s13, v1;
	v8 =	vor.u32 s13, v2;
	v9 =	vor.u32 s13, v3;
	s14 =	sand.u32 $0x7F, s14  }
0x1bb: {  	s13 =	sand.u32 $0x7F, s15;
	v10 =	vor.u32 s14, v7;
	v11 =	vor.u32 s14, v8;
	v12 =	vor.u32 s14, v9  }
0x1bc: {  	v7 =	vor.u32 s13, v7;
	v8 =	vor.u32 s13, v8;
	v9 =	vor.u32 s13, v9  }
0x1bd: {  	v13 =	vor.u32 s14, v6;
	v6 =	vor.u32 s13, v6;
	_ =	sdelay $0x2  }
0x1be: {  	v10 =	vld.idx.msk [tilespmem:v10+s25+$0x0], $0xffff  }
0x1bf: {  	v8 =	vld.idx.msk [tilespmem:v8+s12+$0x0], $0xffff  }
0x1c0: {  	v7 =	vld.idx.msk [tilespmem:v7+s12+$0x0], $0xffff  }
0x1c1: {  	v11 =	vld.idx.msk [tilespmem:v11+s25+$0x0], $0xffff  }
0x1c2: {  	v9 =	vld.idx.msk [tilespmem:v9+s12+$0x0], $0xffff  }
0x1c3: {  	v12 =	vld.idx.msk [tilespmem:v12+s25+$0x0], $0xffff  }
0x1c4: {  	v6 =	vld.idx.msk [tilespmem:v6+s12+$0x0], $0xffff  }
0x1c5: {  	v13 =	vld.idx.msk [tilespmem:v13+s25+$0x0], $0xffff  }
0x1c6: {  	v7 =	vmul.f32 v7, v10  }
0x1c7: {  	v8 =	vmul.f32 v8, v11  }
0x1c8: {  	v7 =	vadd.f32 $0.0e+00, v7  }
0x1c9: {  	v9 =	vmul.f32 v9, v12  }
0x1ca: {  	v7 =	vadd.f32 v8, v7  }
0x1cb: {  	v6 =	vmul.f32 v6, v13  }
0x1cc: {  	v7 =	vadd.f32 v9, v7;
	_ =	sdelay $0x1  }
0x1cd: {  	v6 =	vadd.f32 v6, v7;
	_ =	sdelay $0x1  }
0x1ce: {  	(xrf2) =	vadd.scan.msk.f32 $0xffff, v6  }
0x1cf: {  	s13 =	smul.u32 $0x2493, s30;
	_ =	sdelay $0x1  }
0x1d0: {  	s13 =	sshrl.u32 s13, $0x10  }
0x1d1: {  	s14 =	ssub.s32 s30, s13  }
0x1d2: {  	s14 =	sand.u32 $0xFFFE, s14  }
0x1d3: {  	s14 =	sshrl.u32 s14, $0x1  }
.Ltmp3:
0x1d4: {  	s13 =	sadd.s32 s13, s14;
	(pc) =	sbr.rel @p0 .LBB2_8-.Ltmp3, $4  }
0x1d5: {  	s13 =	sand.u32 $0xFFFC, s13  }
0x1d6: {  	s14 =	sadd.s32 $0xFFFFFE10, s29;
	s13 =	sshrl.u32 s13, $0x2  }
0x1d7: {  	s13 =	smul.u32 $0x7, s13;
	v6 =	vmov s14;
	v7, _, _ =	vpop (xrf2)  }
0x1d8: {  	p1 =	sne.s32 s29, $0x1FF;
	s3 =	sadd.s32 $0x1, s3;
	s0 =	sadd.s32 $0x1, s0;
	vm0 =	veq.s32 v6, v0;
	v6 =	vbroadcast v7, $0xF  }
0x1d9: {  	s13 =	ssub.s32 s30, s13  }
0x1da: {  	s14 =	sand.u32 @!p1 $0x1F0, s29;
	s13 =	sand.u32 $0xFFFF, s13;
	v5 =	vsel vm0, v6, v5  }
0x1db: {  	s15 =	sadd.s32 $0x1, s13;
	[tilespmem:s14+$0x1C200] =	vst @!p1 v5  }
0x1dc: {  	_ =	swait.ge [sflag:s15], $0x2000  }
0x1dd: {  	[sflag:s15] =	ssyncset.done $0x0  }
0x1de: {  	[sflag:s15] =	ssyncadd.s32 $0xFFFFE000  }
0x1df: {  	_ =	swait.ge [sflag:s15], $0x2000  }
0x1e0: {  	[sflag:s15] =	ssyncset.done $0x0  }
0x1e1: {  	[sflag:s15] =	ssyncadd.s32 $0xFFFFE000  }
0x1e2: {  	s3 =	sld [smem:s3+$0x0]  }
0x1e3: {  	s0 =	sld [smem:s0+$0x0]  }
0x1e4: {  	s13 =	sshll.u32 s13, $0xD  }
0x1e5: {  	v6 =	vor.u32 s13, v1;
	s3 =	sand.u32 $0x7F, s3  }
0x1e6: {  	s0 =	sand.u32 $0x7F, s0;
	v7 =	vor.u32 s3, v6  }
0x1e7: {  	v8 =	vor.u32 s13, v2;
	v6 =	vor.u32 s0, v6  }
0x1e8: {  	v9 =	vor.u32 s0, v8  }
0x1e9: {  	v10 =	vor.u32 s13, v3;
	v8 =	vor.u32 s3, v8  }
0x1ea: {  	v11 =	vor.u32 s0, v10  }
0x1eb: {  	v12 =	vor.u32 s13, v4;
	v10 =	vor.u32 s3, v10;
	v7 =	vld.idx.msk [tilespmem:v7+s25+$0x0], $0xffff  }
0x1ec: {  	v13 =	vor.u32 s0, v12;
	v6 =	vld.idx.msk [tilespmem:v6+s12+$0x0], $0xffff  }
0x1ed: {  	v12 =	vor.u32 s3, v12;
	v9 =	vld.idx.msk [tilespmem:v9+s12+$0x0], $0xffff  }
0x1ee: {  	v8 =	vld.idx.msk [tilespmem:v8+s25+$0x0], $0xffff  }
0x1ef: {  	v11 =	vld.idx.msk [tilespmem:v11+s12+$0x0], $0xffff  }
0x1f0: {  	v10 =	vld.idx.msk [tilespmem:v10+s25+$0x0], $0xffff  }
0x1f1: {  	v13 =	vld.idx.msk [tilespmem:v13+s12+$0x0], $0xffff;
	v6 =	vmul.f32 v6, v7  }
0x1f2: {  	v7 =	vld.idx.msk [tilespmem:v12+s25+$0x0], $0xffff  }
0x1f3: {  	v8 =	vmul.f32 v9, v8;
	v6 =	vadd.f32 $0.0e+00, v6;
	_ =	sdelay $0x1  }
0x1f4: {  	v63 =	vmul.f32 v11, v10;
	v6 =	vadd.f32 v8, v6;
	_ =	sdelay $0x1  }
0x1f5: {  	v7 =	vmul.f32 v13, v7;
	v6 =	vadd.f32 v63, v6;
	_ =	sdelay $0x1  }
0x1f6: {  	v6 =	vadd.f32 v7, v6;
	_ =	sdelay $0x1  }
0x1f7: {  	(xrf2) =	vadd.scan.msk.f32 $0xffff, v6;
	_ =	sdelay $0x9  }
0x1f8: {  	s31 =	sadd.s32 $0xFFFFFE10, s30;
	v6, _, _ =	vpop (xrf2)  }
0x1f9: {  	v7 =	vmov s31;
	v6 =	vbroadcast v6, $0xF  }
0x1fa: {  	p0 =	sne.s32 s30, $0x1FF;
	vm15 =	veq.s32 v7, v0  }
0x1fb: {  	s28 =	sadd.s32 $0x1, s28;
	s0 =	sand.u32 @!p0 $0x1F0, s30;
	v5 =	vsel vm15, v6, v5  }
0x1fc: {  	[tilespmem:s0+$0x1C200] =	vst @!p0 v5;
	p0 =	sne.s32 s28, s8  }
.Ltmp4:
0x1fd: {  	_ = 	snop;
	(pc) =	sbr.rel @p0 .LBB2_1-.Ltmp4, $4  }
0x1fe: {  	[hbm4b:s7+s4] =	stream.linear.scatter [tilespmem:s26], [sflag:$0x8], $0x200, $0x38;
	[tilespmem:$0x1C400] =	vst v63  }
0x1ff: {  	_ =	swait.ge [sflag:s9], $0x200  }
0x200: {  	[sflag:s9] =	ssyncset.done $0x0  }
0x201: {  	[sflag:s9] =	ssyncadd.s32 $0xFFFFFE00  }
0x202: {  	_ =	sfence.sel $0x180000  }
0x203: {  	[bflag:$0x0] =	sbarrier.arrive $0xFFFF  }
0x204: {  	_ =	strace $0x90000047  }
0x205: {  	s0 =	stileid.u32;
	[bflag:$0x2] =	sbarrier.arrive $0xFFFF  }
0x206: {  	p0 =	sne.s32 s0, $0x0;
	s0 =	rddreg [dreg:$0x5]  }
0x207: {  	s0 =	sadd.s32 @!p0 $0x100000, s0  }
0x208: {  	[sflag:s0] =	ssyncadd.tile.s32 @!p0 $0x1;
	_ =	shalt  }
.Lfunc_end2:
_tile_overlayer_lowered:
.L_overlay_start_2:
0x209: {  	(tag) =	ssettag $0x2  }
0x20a: {  	s0 =	rddreg [dreg:$0x0];
	s2 =	stileid.u32  }
0x20b: {  	s1 =	rddreg [dreg:$0x1];
	p0 =	sne.s32 s2, $0x0  }
0x20c: {  	s3 =	rddreg [dreg:$0x2];
	[bflag:$0x3] =	sbarrier.arrive $0xFFFF;
	s2 =	simm.s32 @!p0 $0x1C08  }
0x20d: {  	[timem:s3], [sflag:s2] =	dma.local @!p0 [hbm:s0], s1  }
0x20e: {  	s0 =	simm.s32 @!p0 $0x8  }
0x20f: {  	_ =	swait.ge @!p0 [sflag:s0], s1  }
0x210: {  	s1 =	ssub.s32 @!p0 $0x0, s1;
	[sflag:s0] =	ssyncset.done @!p0 $0x0  }
0x211: {  	[sflag:s0] =	ssyncadd.s32 @!p0 s1  }
0x212: {  	[bflag:$0x3] =	sbarrier.arrive $0xFFFF  }
0x213: {  	_ =	shalt  }

</sc_bundles>
